<compile_context>
chip_gen: v7x
topology: tpu7x:2x2x1
jax: 0.10.2.dev20260603
libtpu: 0.0.44.dev20260713+nightly
codegen_flags: <defaults>
</compile_context>

<pallas_src>
import functools
import math

import jax
import jax.numpy as jnp
import numpy as np
from jax import lax
from jax.experimental import pallas as pl
from jax.experimental.pallas import tpu as pltpu
from jax.experimental.pallas import tpu_sc as plsc

B, T, C = 32, 384, 256
N_HEAD, N_KV_HEAD = 4, 2
HEAD_DIM = C // N_HEAD
HALF = HEAD_DIM // 2
E = 8
HID = int(8 / 3 * C)
HPAD = 768
N = B * T
TILE = 256
NTOK_TILES = N // TILE
PBUF = N * 2 + E * TILE
NTILES = PBUF // TILE
NW = 32
TPW = N // NW


def _rope_tables():
    inv_freq = 1.0 / (10000.0 ** (np.arange(0, HEAD_DIM, 2).astype(np.float32) / HEAD_DIM))
    t = np.arange(T).astype(np.float32)
    freqs = np.einsum('i,j->ij', t, inv_freq)
    emb = np.concatenate((freqs, freqs), axis=-1)
    return jnp.asarray(np.cos(emb)), jnp.asarray(np.sin(emb))



def _attn_body(x_ref, w_ref, qwt_ref, kwt_ref, vwt_ref, owt_ref, cos_ref,
               sin_ref, out_ref):
    xb = x_ref[0]
    xn = xb * lax.rsqrt(jnp.mean(xb * xb, axis=-1, keepdims=True) + 1e-6)
    xn = xn * w_ref[...]
    q = jnp.dot(xn, qwt_ref[...], preferred_element_type=jnp.float32)
    k = jnp.dot(xn, kwt_ref[...], preferred_element_type=jnp.float32)
    v = jnp.dot(xn, vwt_ref[...], preferred_element_type=jnp.float32)
    cos = cos_ref[...]
    sin = sin_ref[...]

    def rope(u):
        ur = jnp.concatenate([-u[:, HALF:], u[:, :HALF]], axis=1)
        return u * cos + ur * sin

    rows = lax.broadcasted_iota(jnp.int32, (T, T), 0)
    cols = lax.broadcasted_iota(jnp.int32, (T, T), 1)
    causal = rows >= cols
    scale = 1.0 / math.sqrt(HEAD_DIM)
    ys = []
    kh_c = [rope(k[:, h * HEAD_DIM:(h + 1) * HEAD_DIM]) for h in range(N_KV_HEAD)]
    for h in range(N_HEAD):
        qh = rope(q[:, h * HEAD_DIM:(h + 1) * HEAD_DIM])
        kh = kh_c[h // 2]
        vh = v[:, (h // 2) * HEAD_DIM:(h // 2 + 1) * HEAD_DIM]
        s = lax.dot_general(qh, kh, (((1,), (1,)), ((), ())),
                            preferred_element_type=jnp.float32) * scale
        s = jnp.where(causal, s, -1e30)
        m = jnp.max(s, axis=1, keepdims=True)
        p = jnp.exp(s - m)
        a = p / jnp.sum(p, axis=1, keepdims=True)
        ys.append(jnp.dot(a, vh, preferred_element_type=jnp.float32))
    y = jnp.concatenate(ys, axis=1)
    out_ref[0] = jnp.dot(y, owt_ref[...], preferred_element_type=jnp.float32) + xb


def _attention(x, ln1_w, qW, kW, vW, oW):
    cos, sin = _rope_tables()
    return pl.pallas_call(
        _attn_body,
        grid=(B,),
        in_specs=[
            pl.BlockSpec((1, T, C), lambda b: (b, 0, 0)),
            pl.BlockSpec((1, C), lambda b: (0, 0)),
            pl.BlockSpec((C, C), lambda b: (0, 0)),
            pl.BlockSpec((C, N_KV_HEAD * HEAD_DIM), lambda b: (0, 0)),
            pl.BlockSpec((C, N_KV_HEAD * HEAD_DIM), lambda b: (0, 0)),
            pl.BlockSpec((C, C), lambda b: (0, 0)),
            pl.BlockSpec((T, HEAD_DIM), lambda b: (0, 0)),
            pl.BlockSpec((T, HEAD_DIM), lambda b: (0, 0)),
        ],
        out_specs=pl.BlockSpec((1, T, C), lambda b: (b, 0, 0)),
        out_shape=jax.ShapeDtypeStruct((B, T, C), jnp.float32),
    )(x, ln1_w.reshape(1, C), qW.T, kW.T, vW.T, oW.T, cos, sin)



def _router_body(x_ref, w_ref, rwt_ref, tril_ref, tril8_ref, x2_ref, mf_ref,
                 texp_ref, offs_ref, run_ref):
    t = pl.program_id(0)

    @pl.when(t == 0)
    def _():
        run_ref[...] = jnp.zeros((1, E), jnp.float32)

    xb = x_ref[...]
    xn = xb * lax.rsqrt(jnp.mean(xb * xb, axis=-1, keepdims=True) + 1e-6)
    xn = xn * w_ref[...]
    x2_ref[...] = xn

    logits = jnp.dot(xn, rwt_ref[...], preferred_element_type=jnp.float32)
    lm = jnp.max(logits, axis=1, keepdims=True)
    ex = jnp.exp(logits - lm)
    probs = ex / jnp.sum(ex, axis=1, keepdims=True)

    lane = lax.broadcasted_iota(jnp.int32, (TILE, E), 1)
    p0 = jnp.max(probs, axis=1, keepdims=True)
    i0 = jnp.min(jnp.where(probs == p0, lane, E), axis=1, keepdims=True)
    masked = jnp.where(lane == i0, -1.0, probs)
    p1 = jnp.max(masked, axis=1, keepdims=True)
    i1 = jnp.min(jnp.where(masked == p1, lane, E), axis=1, keepdims=True)
    ssum = p0 + p1 + 1e-9
    g0 = p0 / ssum
    g1 = p1 / ssum

    oh0 = (lane == i0).astype(jnp.float32)
    oh1 = (lane == i1).astype(jnp.float32)
    oh = oh0 + oh1
    prefix = jnp.dot(tril_ref[...], oh, preferred_element_type=jnp.float32)
    run = run_ref[...]
    r0 = jnp.sum((prefix + run) * oh0, axis=1, keepdims=True)
    r1 = jnp.sum((prefix + run) * oh1, axis=1, keepdims=True)
    run_ref[...] = run + jnp.sum(oh, axis=0, keepdims=True)

    mf_ref[0] = jnp.concatenate(
        [i0.astype(jnp.float32), i1.astype(jnp.float32), r0, r1, g0, g1,
         jnp.zeros((TILE, 2), jnp.float32)], axis=1)

    @pl.when(t == NTOK_TILES - 1)
    def _():
        cnt = run_ref[...]
        padded = jnp.ceil(cnt / TILE) * TILE
        offs = jnp.dot(padded, tril8_ref[...], preferred_element_type=jnp.float32)
        offs_ref[...] = offs
        ends = (offs + padded) / TILE
        tt = lax.broadcasted_iota(jnp.int32, (1, 128), 1).astype(jnp.float32)
        acc = jnp.zeros((1, 128), jnp.float32)
        for e in range(E):
            acc = acc + (tt >= ends[0, e]).astype(jnp.float32)
        texp_ref[...] = jnp.minimum(acc, float(E - 1))


def _router(x1f, ln2_w, routerW):
    tril = np.tril(np.ones((TILE, TILE), np.float32), k=-1)
    tril8 = np.triu(np.ones((E, E), np.float32), k=1)
    return pl.pallas_call(
        _router_body,
        grid=(NTOK_TILES,),
        in_specs=[
            pl.BlockSpec((TILE, C), lambda t: (t, 0)),
            pl.BlockSpec((1, C), lambda t: (0, 0)),
            pl.BlockSpec((C, E), lambda t: (0, 0)),
            pl.BlockSpec((TILE, TILE), lambda t: (0, 0)),
            pl.BlockSpec((E, E), lambda t: (0, 0)),
        ],
        out_specs=[
            pl.BlockSpec((TILE, C), lambda t: (t, 0)),
            pl.BlockSpec((1, TILE, E), lambda t: (t, 0, 0)),
            pl.BlockSpec((1, 128), lambda t: (0, 0)),
            pl.BlockSpec((1, E), lambda t: (0, 0)),
        ],
        out_shape=[
            jax.ShapeDtypeStruct((N, C), jnp.float32),
            jax.ShapeDtypeStruct((NTOK_TILES, TILE, E), jnp.float32),
            jax.ShapeDtypeStruct((1, 128), jnp.float32),
            jax.ShapeDtypeStruct((1, E), jnp.float32),
        ],
        scratch_shapes=[pltpu.VMEM((1, E), jnp.float32)],
    )(x1f, ln2_w.reshape(1, C), routerW.T, jnp.asarray(tril), jnp.asarray(tril8))



def _dest_body(mf_ref, offs_ref, df_ref):
    mf = mf_ref[...]
    offs = offs_ref[...].reshape(1, 1, E)
    lane = lax.broadcasted_iota(jnp.int32, (NTOK_TILES, TILE, E), 2).astype(jnp.float32)
    d0 = mf[:, :, 2:3] + jnp.sum(jnp.where(lane == mf[:, :, 0:1], offs, 0.0),
                                 axis=2, keepdims=True)
    d1 = mf[:, :, 3:4] + jnp.sum(jnp.where(lane == mf[:, :, 1:2], offs, 0.0),
                                 axis=2, keepdims=True)
    df_ref[...] = jnp.concatenate(
        [d0, d1, jnp.zeros((NTOK_TILES, TILE, E - 2), jnp.float32)], axis=2)


def _dest(mf, offsf):
    return pl.pallas_call(
        _dest_body,
        out_shape=jax.ShapeDtypeStruct((NTOK_TILES, TILE, E), jnp.float32),
    )(mf, offsf)



CH = 128


def _dispatch_body(x2_hbm, d0_hbm, d1_hbm, buf_hbm, d_v0, d_v1, rows_v, sem):
    wid = lax.axis_index("s") * 2 + lax.axis_index("c")

    def chunk(ci):
        base = wid * TPW + ci * CH
        pltpu.sync_copy(x2_hbm.at[pl.ds(base, CH)], rows_v)
        pltpu.sync_copy(d0_hbm.at[pl.ds(base, CH)], d_v0)
        pltpu.sync_copy(d1_hbm.at[pl.ds(base, CH)], d_v1)
        c0 = pltpu.async_copy(rows_v, buf_hbm.at[d_v0], sem)
        c1 = pltpu.async_copy(rows_v, buf_hbm.at[d_v1], sem)
        c0.wait()
        c1.wait()

    pl.loop(0, TPW // CH)(chunk)


def _dispatch(x2, d0, d1):
    mesh = plsc.VectorSubcoreMesh(core_axis_name="c", subcore_axis_name="s")
    f = pl.kernel(
        _dispatch_body,
        mesh=mesh,
        out_type=jax.ShapeDtypeStruct((PBUF, C), jnp.float32),
        scratch_types=[
            pltpu.VMEM((CH,), jnp.int32),
            pltpu.VMEM((CH,), jnp.int32),
            pltpu.VMEM((CH, C), jnp.float32),
            pltpu.SemaphoreType.DMA,
        ],
    )
    return f(x2, d0, d1)



def _gmm_body(texp_ref, xb_ref, w1_ref, w3_ref, w2_ref, y_ref):
    xb = xb_ref[...]
    h1 = lax.dot_general(xb, w1_ref[0], (((1,), (1,)), ((), ())),
                         preferred_element_type=jnp.float32)
    h3 = lax.dot_general(xb, w3_ref[0], (((1,), (1,)), ((), ())),
                         preferred_element_type=jnp.float32)
    h = h1 * (1.0 / (1.0 + jnp.exp(-h1))) * h3
    y_ref[...] = lax.dot_general(h, w2_ref[0], (((1,), (1,)), ((), ())),
                                 preferred_element_type=jnp.float32)


def _grouped_mlp(texp, buf, W1p, W3p, W2p):
    grid_spec = pltpu.PrefetchScalarGridSpec(
        num_scalar_prefetch=1,
        grid=(NTILES,),
        in_specs=[
            pl.BlockSpec((TILE, C), lambda t, s: (t, 0)),
            pl.BlockSpec((1, HPAD, C), lambda t, s: (s[t], 0, 0)),
            pl.BlockSpec((1, HPAD, C), lambda t, s: (s[t], 0, 0)),
            pl.BlockSpec((1, C, HPAD), lambda t, s: (s[t], 0, 0)),
        ],
        out_specs=pl.BlockSpec((TILE, C), lambda t, s: (t, 0)),
    )
    return pl.pallas_call(
        _gmm_body,
        grid_spec=grid_spec,
        out_shape=jax.ShapeDtypeStruct((PBUF, C), jnp.float32),
    )(texp, buf, W1p, W3p, W2p)



CCH = 64


def _gather_body(y_hbm, d0_hbm, d1_hbm, r0_hbm, r1_hbm,
                 d_v0, d_v1, ry0_v, ry1_v, sem):
    wid = lax.axis_index("s") * 2 + lax.axis_index("c")

    def chunk(ci):
        base = wid * TPW + ci * CCH
        pltpu.sync_copy(d0_hbm.at[pl.ds(base, CCH)], d_v0)
        pltpu.sync_copy(d1_hbm.at[pl.ds(base, CCH)], d_v1)
        c0 = pltpu.async_copy(y_hbm.at[d_v0], ry0_v, sem)
        c1 = pltpu.async_copy(y_hbm.at[d_v1], ry1_v, sem)
        c0.wait()
        c1.wait()
        pltpu.sync_copy(ry0_v, r0_hbm.at[pl.ds(base, CCH)])
        pltpu.sync_copy(ry1_v, r1_hbm.at[pl.ds(base, CCH)])

    pl.loop(0, TPW // CCH)(chunk)


def _gather2(y, d0, d1):
    mesh = plsc.VectorSubcoreMesh(core_axis_name="c", subcore_axis_name="s")
    f = pl.kernel(
        _gather_body,
        mesh=mesh,
        out_type=[
            jax.ShapeDtypeStruct((N, C), jnp.float32),
            jax.ShapeDtypeStruct((N, C), jnp.float32),
        ],
        scratch_types=[
            pltpu.VMEM((CCH,), jnp.int32),
            pltpu.VMEM((CCH,), jnp.int32),
            pltpu.VMEM((CCH, C), jnp.float32),
            pltpu.VMEM((CCH, C), jnp.float32),
            pltpu.SemaphoreType.DMA,
        ],
    )
    return f(y, d0, d1)


def _epilogue_body(x1_ref, ry0_ref, ry1_ref, g0_ref, g1_ref, out_ref):
    out_ref[...] = (x1_ref[...] + g0_ref[...] * ry0_ref[...]
                    + g1_ref[...] * ry1_ref[...])


def _epilogue(x1f, ry0, ry1, g0, g1):
    return pl.pallas_call(
        _epilogue_body,
        grid=(NTOK_TILES,),
        in_specs=[
            pl.BlockSpec((TILE, C), lambda t: (t, 0)),
            pl.BlockSpec((TILE, C), lambda t: (t, 0)),
            pl.BlockSpec((TILE, C), lambda t: (t, 0)),
            pl.BlockSpec((TILE, 1), lambda t: (t, 0)),
            pl.BlockSpec((TILE, 1), lambda t: (t, 0)),
        ],
        out_specs=pl.BlockSpec((TILE, C), lambda t: (t, 0)),
        out_shape=jax.ShapeDtypeStruct((N, C), jnp.float32),
    )(x1f, ry0, ry1, g0, g1)



def kernel(x, ln1_w, qW, kW, vW, oW, ln2_w, routerW, W1, W2, W3):
    x1 = _attention(x, ln1_w, qW, kW, vW, oW)
    x1f = x1.reshape(N, C)

    x2, mf, texpf, offsf = _router(x1f, ln2_w, routerW)
    texp = texpf[0, :NTILES].astype(jnp.int32)

    df = _dest(mf, offsf)
    d0 = df[:, :, 0].reshape(N).astype(jnp.int32)
    d1 = df[:, :, 1].reshape(N).astype(jnp.int32)
    g0 = mf[:, :, 4].reshape(N, 1)
    g1 = mf[:, :, 5].reshape(N, 1)

    buf = _dispatch(x2, d0, d1)

    W1p = jnp.pad(W1, ((0, 0), (0, HPAD - HID), (0, 0)))
    W3p = jnp.pad(W3, ((0, 0), (0, HPAD - HID), (0, 0)))
    W2p = jnp.pad(W2, ((0, 0), (0, 0), (0, HPAD - HID)))
    y = _grouped_mlp(texp, buf, W1p, W3p, W2p)

    ry0, ry1 = _gather2(y, d0, d1)
    out = _epilogue(x1f, ry0, ry1, g0, g1)
    return out.reshape(B, T, C)

# --- scband reference (transcript-rebuilt; emitter-appended) ---
"""Pipeline reference for scband-chat-block-27470610825614 (READ-ONLY COPY).

The authoritative reference and input builder live on the scoring server;
editing this copy changes nothing except your own understanding.
"""

import jax, jax.numpy as jnp
import numpy as np
import math

BLOCK_SIZE = 384
N_EMBD = 256
N_HEAD = 4
N_KV_HEAD = 2
N_REP = N_HEAD // N_KV_HEAD
HEAD_DIM = N_EMBD // N_HEAD
N_EXPERTS = 8
N_EXPERTS_ACTIVE = 2
HIDDEN = int(8 / 3 * N_EMBD)


def _rope_tables():
    inv_freq = 1.0 / (10000.0 ** (np.arange(0, HEAD_DIM, 2).astype(np.float32) / HEAD_DIM))
    t = np.arange(BLOCK_SIZE).astype(np.float32)
    freqs = np.einsum('i,j->ij', t, inv_freq)
    emb = np.concatenate((freqs, freqs), axis=-1)
    return jnp.asarray(np.cos(emb)), jnp.asarray(np.sin(emb))


def rotate_half(x):
    h = x.shape[-1] // 2
    return jnp.concatenate((-x[..., h:], x[..., :h]), axis=-1)


def rms_norm(x, w, eps=1e-6):
    return x * jax.lax.rsqrt(jnp.mean(x * x, axis=-1, keepdims=True) + eps) * w


def setup_inputs(seed: int = 0) -> dict:
    key = jax.random.key(seed)
    ks = jax.random.split(key, 12)
    B, T, C = 32, 384, N_EMBD
    s = 0.02
    return {
        'x': jax.random.normal(ks[0], (B, T, C), dtype=jnp.float32),
        'ln1_w': jnp.ones((C,), dtype=jnp.float32),
        'qW': jax.random.normal(ks[1], (N_HEAD * HEAD_DIM, C), dtype=jnp.float32) * s,
        'kW': jax.random.normal(ks[2], (N_KV_HEAD * HEAD_DIM, C), dtype=jnp.float32) * s,
        'vW': jax.random.normal(ks[3], (N_KV_HEAD * HEAD_DIM, C), dtype=jnp.float32) * s,
        'oW': jax.random.normal(ks[4], (C, C), dtype=jnp.float32) * s,
        'ln2_w': jnp.ones((C,), dtype=jnp.float32),
        'routerW': jax.random.normal(ks[5], (N_EXPERTS, C), dtype=jnp.float32) * s,
        'W1': jax.random.normal(ks[6], (N_EXPERTS, HIDDEN, C), dtype=jnp.float32) * s,
        'W2': jax.random.normal(ks[7], (N_EXPERTS, C, HIDDEN), dtype=jnp.float32) * s,
        'W3': jax.random.normal(ks[8], (N_EXPERTS, HIDDEN, C), dtype=jnp.float32) * s,
    }


def _attn(x, qW, kW, vW, oW):
    B, T, C = x.shape
    cos, sin = _rope_tables()
    q = (x @ qW.T).reshape(B, T, N_HEAD, HEAD_DIM).transpose(0, 2, 1, 3)
    k = (x @ kW.T).reshape(B, T, N_KV_HEAD, HEAD_DIM).transpose(0, 2, 1, 3)
    v = (x @ vW.T).reshape(B, T, N_KV_HEAD, HEAD_DIM).transpose(0, 2, 1, 3)
    c = cos[:T][None, None]
    s = sin[:T][None, None]
    q = q * c + rotate_half(q) * s
    k = k * c + rotate_half(k) * s
    k = jnp.repeat(k, N_REP, axis=1)
    v = jnp.repeat(v, N_REP, axis=1)
    scores = jnp.einsum('bhqd,bhkd->bhqk', q, k) / math.sqrt(HEAD_DIM)
    mask = jnp.tril(jnp.ones((T, T), dtype=bool))
    scores = jnp.where(mask[None, None], scores, -jnp.inf)
    a = jax.nn.softmax(scores, axis=-1)
    y = jnp.einsum('bhqk,bhkd->bhqd', a, v)
    y = y.transpose(0, 2, 1, 3).reshape(B, T, C)
    return y @ oW.T


def _moe(x, routerW, W1, W2, W3):
    B, T, C = x.shape
    flat = x.reshape(-1, C)
    N = flat.shape[0]
    logits = flat @ routerW.T
    probs = jax.nn.softmax(logits, axis=-1)
    topk_probs, topk_idx = jax.lax.top_k(probs, N_EXPERTS_ACTIVE)
    topk_probs = topk_probs / (jnp.sum(topk_probs, axis=-1, keepdims=True) + 1e-9)
    gates = jnp.zeros((N, N_EXPERTS), dtype=flat.dtype).at[jnp.arange(N)[:, None], topk_idx].add(topk_probs)
    h1 = jnp.einsum('nc,ehc->neh', flat, W1)
    h3 = jnp.einsum('nc,ehc->neh', flat, W3)
    h = jax.nn.silu(h1) * h3
    eo = jnp.einsum('neh,ech->nec', h, W2)
    out = jnp.einsum('nec,ne->nc', eo, gates)
    return out.reshape(B, T, C)


def reference(x, ln1_w, qW, kW, vW, oW, ln2_w, routerW, W1, W2, W3):
    x = x + _attn(rms_norm(x, ln1_w), qW, kW, vW, oW)
    x = x + _moe(rms_norm(x, ln2_w), routerW, W1, W2, W3)
    return x

if __name__ == "__main__":
    import jax
    _d = setup_inputs()
    print(jax.jit(kernel)(*tuple(_d.values())))

</pallas_src>

<mosaic_0001>
#map = affine_map<(d0, d1) -> (0, 0)>
#map1 = affine_map<(d0, d1) -> (0)>
module attributes {stable_mosaic.version = 14 : i64} {
  func.func @_dispatch_body(%arg0: i32, %arg1: i32, %arg2: memref<12288x256xf32, #tpu.memory_space<hbm>>, %arg3: memref<12288xi32, #tpu.memory_space<hbm>>, %arg4: memref<12288xi32, #tpu.memory_space<hbm>>, %arg5: memref<26624x256xf32, #tpu.memory_space<hbm>>, %arg6: memref<128xi32, #tpu.memory_space<vmem>>, %arg7: memref<128xi32, #tpu.memory_space<vmem>>, %arg8: memref<128x256xf32, #tpu.memory_space<vmem>>, %arg9: memref<!tpu.dma_semaphore, #tpu.memory_space<semaphore_mem>>) attributes {dimension_semantics = [#tpu.dimension_semantics<core_parallel>, #tpu.dimension_semantics<subcore_parallel>], iteration_bounds = array<i64: 2, 16>, scalar_prefetch = 0 : i64, scratch_operands = 4 : i64, tpu.core_type = #tpu.core_type<sc_vector_subcore>, window_params = [{transform_indices = #map}, {transform_indices = #map1}, {transform_indices = #map1}, {transform_indices = #map}]} {
    %mul3A = arith.constant 2 : i32
    %mul3A_0 = arith.muli %arg1, %mul3A : i32
    %add3A = arith.addi %mul3A_0, %arg0 : i32
    %scan3A = arith.constant 0 : i32
    %scan3A_1 = arith.constant 3 : i32
    %scan3A_2 = arith.addi %scan3A, %scan3A_1 : i32
    %scan3A_3 = arith.constant 1 : i32
    scf.for %scan3A_5 = %scan3A to %scan3A_2 step %scan3A_3  : i32 {
      %mul3A_6 = arith.constant 1 : i32
      %mul3A_7 = arith.muli %scan3A_5, %mul3A_6 : i32
      %add3A_8 = arith.constant 0 : i32
      %add3A_9 = arith.addi %add3A_8, %mul3A_7 : i32
      %mul3A_10 = arith.constant 384 : i32
      %mul3A_11 = arith.muli %add3A, %mul3A_10 : i32
      %mul3A_12 = arith.constant 128 : i32
      %mul3A_13 = arith.muli %add3A_9, %mul3A_12 : i32
      %add3A_14 = arith.addi %mul3A_11, %mul3A_13 : i32
      "tpu.region"() ({
        %run_scoped3A = tpu.sem_alloc : memref<!tpu.dma_semaphore, #tpu.memory_space<semaphore_mem>>
        %dma_start3A_25 = arith.constant 0 : i32
        %dma_start3A_26 = tpu.memref_slice %arg2[%add3A_14, %dma_start3A_25] : memref<12288x256xf32, #tpu.memory_space<hbm>> -> memref<128x256xf32, #tpu.memory_space<hbm>>
        %dma_start3A_27 = arith.constant 0 : i32
        %dma_start3A_28 = tpu.memref_slice %arg2[%add3A_14, %dma_start3A_27] : memref<12288x256xf32, #tpu.memory_space<hbm>> -> memref<128x256xf32, #tpu.memory_space<hbm>>
        tpu.enqueue_dma source(%dma_start3A_28 : memref<128x256xf32, #tpu.memory_space<hbm>>) target(%arg8 : memref<128x256xf32, #tpu.memory_space<vmem>>) target_semaphore(%run_scoped3A : memref<!tpu.dma_semaphore, #tpu.memory_space<semaphore_mem>>)
        %dma_wait3A_29 = arith.constant 0 : i32
        %dma_wait3A_30 = tpu.memref_slice %arg2[%add3A_14, %dma_wait3A_29] : memref<12288x256xf32, #tpu.memory_space<hbm>> -> memref<128x256xf32, #tpu.memory_space<hbm>>
        %dma_wait3A_31 = arith.constant 0 : i32
        %dma_wait3A_32 = tpu.memref_slice %arg2[%add3A_14, %dma_wait3A_31] : memref<12288x256xf32, #tpu.memory_space<hbm>> -> memref<128x256xf32, #tpu.memory_space<hbm>>
        tpu.wait_dma2 semaphore(%run_scoped3A : memref<!tpu.dma_semaphore, #tpu.memory_space<semaphore_mem>>) src(%dma_wait3A_32 : memref<128x256xf32, #tpu.memory_space<hbm>>) dst(%arg8 : memref<128x256xf32, #tpu.memory_space<vmem>>)
        tpu.yield
      }) : () -> ()
      "tpu.region"() ({
        %run_scoped3A = tpu.sem_alloc : memref<!tpu.dma_semaphore, #tpu.memory_space<semaphore_mem>>
        %dma_start3A_25 = tpu.memref_slice %arg3[%add3A_14] : memref<12288xi32, #tpu.memory_space<hbm>> -> memref<128xi32, #tpu.memory_space<hbm>>
        %dma_start3A_26 = tpu.memref_slice %arg3[%add3A_14] : memref<12288xi32, #tpu.memory_space<hbm>> -> memref<128xi32, #tpu.memory_space<hbm>>
        tpu.enqueue_dma source(%dma_start3A_26 : memref<128xi32, #tpu.memory_space<hbm>>) target(%arg6 : memref<128xi32, #tpu.memory_space<vmem>>) target_semaphore(%run_scoped3A : memref<!tpu.dma_semaphore, #tpu.memory_space<semaphore_mem>>)
        %dma_wait3A_27 = tpu.memref_slice %arg3[%add3A_14] : memref<12288xi32, #tpu.memory_space<hbm>> -> memref<128xi32, #tpu.memory_space<hbm>>
        %dma_wait3A_28 = tpu.memref_slice %arg3[%add3A_14] : memref<12288xi32, #tpu.memory_space<hbm>> -> memref<128xi32, #tpu.memory_space<hbm>>
        tpu.wait_dma2 semaphore(%run_scoped3A : memref<!tpu.dma_semaphore, #tpu.memory_space<semaphore_mem>>) src(%dma_wait3A_28 : memref<128xi32, #tpu.memory_space<hbm>>) dst(%arg6 : memref<128xi32, #tpu.memory_space<vmem>>)
        tpu.yield
      }) : () -> ()
      "tpu.region"() ({
        %run_scoped3A = tpu.sem_alloc : memref<!tpu.dma_semaphore, #tpu.memory_space<semaphore_mem>>
        %dma_start3A_25 = tpu.memref_slice %arg4[%add3A_14] : memref<12288xi32, #tpu.memory_space<hbm>> -> memref<128xi32, #tpu.memory_space<hbm>>
        %dma_start3A_26 = tpu.memref_slice %arg4[%add3A_14] : memref<12288xi32, #tpu.memory_space<hbm>> -> memref<128xi32, #tpu.memory_space<hbm>>
        tpu.enqueue_dma source(%dma_start3A_26 : memref<128xi32, #tpu.memory_space<hbm>>) target(%arg7 : memref<128xi32, #tpu.memory_space<vmem>>) target_semaphore(%run_scoped3A : memref<!tpu.dma_semaphore, #tpu.memory_space<semaphore_mem>>)
        %dma_wait3A_27 = tpu.memref_slice %arg4[%add3A_14] : memref<12288xi32, #tpu.memory_space<hbm>> -> memref<128xi32, #tpu.memory_space<hbm>>
        %dma_wait3A_28 = tpu.memref_slice %arg4[%add3A_14] : memref<12288xi32, #tpu.memory_space<hbm>> -> memref<128xi32, #tpu.memory_space<hbm>>
        tpu.wait_dma2 semaphore(%run_scoped3A : memref<!tpu.dma_semaphore, #tpu.memory_space<semaphore_mem>>) src(%dma_wait3A_28 : memref<128xi32, #tpu.memory_space<hbm>>) dst(%arg7 : memref<128xi32, #tpu.memory_space<vmem>>)
        tpu.yield
      }) : () -> ()
      %dma_start3A = arith.constant 0 : i32
      %dma_start3A_15 = arith.constant 0 : i32
      %dma_start3A_16 = tpu.memref_slice %arg5[%dma_start3A, %dma_start3A_15] : memref<26624x256xf32, #tpu.memory_space<hbm>> -> memref<26624x256xf32, #tpu.memory_space<hbm>>
      tpu.enqueue_indirect_dma source(%arg8 : memref<128x256xf32, #tpu.memory_space<vmem>>) target(%dma_start3A_16 : memref<26624x256xf32, #tpu.memory_space<hbm>>) offsets(%arg6 : memref<128xi32, #tpu.memory_space<vmem>>) semaphore(%arg9 : memref<!tpu.dma_semaphore, #tpu.memory_space<semaphore_mem>>)
      %dma_start3A_17 = arith.constant 0 : i32
      %dma_start3A_18 = arith.constant 0 : i32
      %dma_start3A_19 = tpu.memref_slice %arg5[%dma_start3A_17, %dma_start3A_18] : memref<26624x256xf32, #tpu.memory_space<hbm>> -> memref<26624x256xf32, #tpu.memory_space<hbm>>
      tpu.enqueue_indirect_dma source(%arg8 : memref<128x256xf32, #tpu.memory_space<vmem>>) target(%dma_start3A_19 : memref<26624x256xf32, #tpu.memory_space<hbm>>) offsets(%arg7 : memref<128xi32, #tpu.memory_space<vmem>>) semaphore(%arg9 : memref<!tpu.dma_semaphore, #tpu.memory_space<semaphore_mem>>)
      %dma_wait3A = arith.constant 0 : i32
      %dma_wait3A_20 = arith.constant 0 : i32
      %dma_wait3A_21 = tpu.memref_slice %arg5[%dma_wait3A, %dma_wait3A_20] : memref<26624x256xf32, #tpu.memory_space<hbm>> -> memref<26624x256xf32, #tpu.memory_space<hbm>>
      tpu.wait_indirect_dma semaphore(%arg9 : memref<!tpu.dma_semaphore, #tpu.memory_space<semaphore_mem>>) src(%arg8 : memref<128x256xf32, #tpu.memory_space<vmem>>) dst(%dma_wait3A_21 : memref<26624x256xf32, #tpu.memory_space<hbm>>)
      %dma_wait3A_22 = arith.constant 0 : i32
      %dma_wait3A_23 = arith.constant 0 : i32
      %dma_wait3A_24 = tpu.memref_slice %arg5[%dma_wait3A_22, %dma_wait3A_23] : memref<26624x256xf32, #tpu.memory_space<hbm>> -> memref<26624x256xf32, #tpu.memory_space<hbm>>
      tpu.wait_indirect_dma semaphore(%arg9 : memref<!tpu.dma_semaphore, #tpu.memory_space<semaphore_mem>>) src(%arg8 : memref<128x256xf32, #tpu.memory_space<vmem>>) dst(%dma_wait3A_24 : memref<26624x256xf32, #tpu.memory_space<hbm>>)
    }
    %scan3A_4 = arith.constant 3 : i32
    return
  }
}

#map = affine_map<(d0, d1) -> (0, 0)>
#map1 = affine_map<(d0, d1) -> (0)>
module attributes {stable_mosaic.version = 14 : i64} {
  func.func @_gather_body(%arg0: i32, %arg1: i32, %arg2: memref<26624x256xf32, #tpu.memory_space<hbm>>, %arg3: memref<12288xi32, #tpu.memory_space<hbm>>, %arg4: memref<12288xi32, #tpu.memory_space<hbm>>, %arg5: memref<12288x256xf32, #tpu.memory_space<hbm>>, %arg6: memref<12288x256xf32, #tpu.memory_space<hbm>>, %arg7: memref<64xi32, #tpu.memory_space<vmem>>, %arg8: memref<64xi32, #tpu.memory_space<vmem>>, %arg9: memref<64x256xf32, #tpu.memory_space<vmem>>, %arg10: memref<64x256xf32, #tpu.memory_space<vmem>>, %arg11: memref<!tpu.dma_semaphore, #tpu.memory_space<semaphore_mem>>) attributes {dimension_semantics = [#tpu.dimension_semantics<core_parallel>, #tpu.dimension_semantics<subcore_parallel>], iteration_bounds = array<i64: 2, 16>, scalar_prefetch = 0 : i64, scratch_operands = 5 : i64, tpu.core_type = #tpu.core_type<sc_vector_subcore>, window_params = [{transform_indices = #map}, {transform_indices = #map1}, {transform_indices = #map1}, {transform_indices = #map}, {transform_indices = #map}]} {
    %mul3A = arith.constant 2 : i32
    %mul3A_0 = arith.muli %arg1, %mul3A : i32
    %add3A = arith.addi %mul3A_0, %arg0 : i32
    %scan3A = arith.constant 0 : i32
    %scan3A_1 = arith.constant 6 : i32
    %scan3A_2 = arith.addi %scan3A, %scan3A_1 : i32
    %scan3A_3 = arith.constant 1 : i32
    scf.for %scan3A_5 = %scan3A to %scan3A_2 step %scan3A_3  : i32 {
      %mul3A_6 = arith.constant 1 : i32
      %mul3A_7 = arith.muli %scan3A_5, %mul3A_6 : i32
      %add3A_8 = arith.constant 0 : i32
      %add3A_9 = arith.addi %add3A_8, %mul3A_7 : i32
      %mul3A_10 = arith.constant 384 : i32
      %mul3A_11 = arith.muli %add3A, %mul3A_10 : i32
      %mul3A_12 = arith.constant 64 : i32
      %mul3A_13 = arith.muli %add3A_9, %mul3A_12 : i32
      %add3A_14 = arith.addi %mul3A_11, %mul3A_13 : i32
      "tpu.region"() ({
        %run_scoped3A = tpu.sem_alloc : memref<!tpu.dma_semaphore, #tpu.memory_space<semaphore_mem>>
        %dma_start3A_25 = tpu.memref_slice %arg3[%add3A_14] : memref<12288xi32, #tpu.memory_space<hbm>> -> memref<64xi32, #tpu.memory_space<hbm>>
        %dma_start3A_26 = tpu.memref_slice %arg3[%add3A_14] : memref<12288xi32, #tpu.memory_space<hbm>> -> memref<64xi32, #tpu.memory_space<hbm>>
        tpu.enqueue_dma source(%dma_start3A_26 : memref<64xi32, #tpu.memory_space<hbm>>) target(%arg7 : memref<64xi32, #tpu.memory_space<vmem>>) target_semaphore(%run_scoped3A : memref<!tpu.dma_semaphore, #tpu.memory_space<semaphore_mem>>)
        %dma_wait3A_27 = tpu.memref_slice %arg3[%add3A_14] : memref<12288xi32, #tpu.memory_space<hbm>> -> memref<64xi32, #tpu.memory_space<hbm>>
        %dma_wait3A_28 = tpu.memref_slice %arg3[%add3A_14] : memref<12288xi32, #tpu.memory_space<hbm>> -> memref<64xi32, #tpu.memory_space<hbm>>
        tpu.wait_dma2 semaphore(%run_scoped3A : memref<!tpu.dma_semaphore, #tpu.memory_space<semaphore_mem>>) src(%dma_wait3A_28 : memref<64xi32, #tpu.memory_space<hbm>>) dst(%arg7 : memref<64xi32, #tpu.memory_space<vmem>>)
        tpu.yield
      }) : () -> ()
      "tpu.region"() ({
        %run_scoped3A = tpu.sem_alloc : memref<!tpu.dma_semaphore, #tpu.memory_space<semaphore_mem>>
        %dma_start3A_25 = tpu.memref_slice %arg4[%add3A_14] : memref<12288xi32, #tpu.memory_space<hbm>> -> memref<64xi32, #tpu.memory_space<hbm>>
        %dma_start3A_26 = tpu.memref_slice %arg4[%add3A_14] : memref<12288xi32, #tpu.memory_space<hbm>> -> memref<64xi32, #tpu.memory_space<hbm>>
        tpu.enqueue_dma source(%dma_start3A_26 : memref<64xi32, #tpu.memory_space<hbm>>) target(%arg8 : memref<64xi32, #tpu.memory_space<vmem>>) target_semaphore(%run_scoped3A : memref<!tpu.dma_semaphore, #tpu.memory_space<semaphore_mem>>)
        %dma_wait3A_27 = tpu.memref_slice %arg4[%add3A_14] : memref<12288xi32, #tpu.memory_space<hbm>> -> memref<64xi32, #tpu.memory_space<hbm>>
        %dma_wait3A_28 = tpu.memref_slice %arg4[%add3A_14] : memref<12288xi32, #tpu.memory_space<hbm>> -> memref<64xi32, #tpu.memory_space<hbm>>
        tpu.wait_dma2 semaphore(%run_scoped3A : memref<!tpu.dma_semaphore, #tpu.memory_space<semaphore_mem>>) src(%dma_wait3A_28 : memref<64xi32, #tpu.memory_space<hbm>>) dst(%arg8 : memref<64xi32, #tpu.memory_space<vmem>>)
        tpu.yield
      }) : () -> ()
      %dma_start3A = arith.constant 0 : i32
      %dma_start3A_15 = arith.constant 0 : i32
      %dma_start3A_16 = tpu.memref_slice %arg2[%dma_start3A, %dma_start3A_15] : memref<26624x256xf32, #tpu.memory_space<hbm>> -> memref<26624x256xf32, #tpu.memory_space<hbm>>
      tpu.enqueue_indirect_dma source(%dma_start3A_16 : memref<26624x256xf32, #tpu.memory_space<hbm>>) target(%arg9 : memref<64x256xf32, #tpu.memory_space<vmem>>) offsets(%arg7 : memref<64xi32, #tpu.memory_space<vmem>>) semaphore(%arg11 : memref<!tpu.dma_semaphore, #tpu.memory_space<semaphore_mem>>)
      %dma_start3A_17 = arith.constant 0 : i32
      %dma_start3A_18 = arith.constant 0 : i32
      %dma_start3A_19 = tpu.memref_slice %arg2[%dma_start3A_17, %dma_start3A_18] : memref<26624x256xf32, #tpu.memory_space<hbm>> -> memref<26624x256xf32, #tpu.memory_space<hbm>>
      tpu.enqueue_indirect_dma source(%dma_start3A_19 : memref<26624x256xf32, #tpu.memory_space<hbm>>) target(%arg10 : memref<64x256xf32, #tpu.memory_space<vmem>>) offsets(%arg8 : memref<64xi32, #tpu.memory_space<vmem>>) semaphore(%arg11 : memref<!tpu.dma_semaphore, #tpu.memory_space<semaphore_mem>>)
      %dma_wait3A = arith.constant 0 : i32
      %dma_wait3A_20 = arith.constant 0 : i32
      %dma_wait3A_21 = tpu.memref_slice %arg2[%dma_wait3A, %dma_wait3A_20] : memref<26624x256xf32, #tpu.memory_space<hbm>> -> memref<26624x256xf32, #tpu.memory_space<hbm>>
      tpu.wait_indirect_dma semaphore(%arg11 : memref<!tpu.dma_semaphore, #tpu.memory_space<semaphore_mem>>) src(%dma_wait3A_21 : memref<26624x256xf32, #tpu.memory_space<hbm>>) dst(%arg9 : memref<64x256xf32, #tpu.memory_space<vmem>>)
      %dma_wait3A_22 = arith.constant 0 : i32
      %dma_wait3A_23 = arith.constant 0 : i32
      %dma_wait3A_24 = tpu.memref_slice %arg2[%dma_wait3A_22, %dma_wait3A_23] : memref<26624x256xf32, #tpu.memory_space<hbm>> -> memref<26624x256xf32, #tpu.memory_space<hbm>>
      tpu.wait_indirect_dma semaphore(%arg11 : memref<!tpu.dma_semaphore, #tpu.memory_space<semaphore_mem>>) src(%dma_wait3A_24 : memref<26624x256xf32, #tpu.memory_space<hbm>>) dst(%arg10 : memref<64x256xf32, #tpu.memory_space<vmem>>)
      "tpu.region"() ({
        %run_scoped3A = tpu.sem_alloc : memref<!tpu.dma_semaphore, #tpu.memory_space<semaphore_mem>>
        %dma_start3A_25 = arith.constant 0 : i32
        %dma_start3A_26 = tpu.memref_slice %arg5[%add3A_14, %dma_start3A_25] : memref<12288x256xf32, #tpu.memory_space<hbm>> -> memref<64x256xf32, #tpu.memory_space<hbm>>
        %dma_start3A_27 = arith.constant 0 : i32
        %dma_start3A_28 = tpu.memref_slice %arg5[%add3A_14, %dma_start3A_27] : memref<12288x256xf32, #tpu.memory_space<hbm>> -> memref<64x256xf32, #tpu.memory_space<hbm>>
        tpu.enqueue_dma source(%arg9 : memref<64x256xf32, #tpu.memory_space<vmem>>) target(%dma_start3A_28 : memref<64x256xf32, #tpu.memory_space<hbm>>) target_semaphore(%run_scoped3A : memref<!tpu.dma_semaphore, #tpu.memory_space<semaphore_mem>>)
        %dma_wait3A_29 = arith.constant 0 : i32
        %dma_wait3A_30 = tpu.memref_slice %arg5[%add3A_14, %dma_wait3A_29] : memref<12288x256xf32, #tpu.memory_space<hbm>> -> memref<64x256xf32, #tpu.memory_space<hbm>>
        %dma_wait3A_31 = arith.constant 0 : i32
        %dma_wait3A_32 = tpu.memref_slice %arg5[%add3A_14, %dma_wait3A_31] : memref<12288x256xf32, #tpu.memory_space<hbm>> -> memref<64x256xf32, #tpu.memory_space<hbm>>
        tpu.wait_dma2 semaphore(%run_scoped3A : memref<!tpu.dma_semaphore, #tpu.memory_space<semaphore_mem>>) src(%arg9 : memref<64x256xf32, #tpu.memory_space<vmem>>) dst(%dma_wait3A_32 : memref<64x256xf32, #tpu.memory_space<hbm>>)
        tpu.yield
      }) : () -> ()
      "tpu.region"() ({
        %run_scoped3A = tpu.sem_alloc : memref<!tpu.dma_semaphore, #tpu.memory_space<semaphore_mem>>
        %dma_start3A_25 = arith.constant 0 : i32
        %dma_start3A_26 = tpu.memref_slice %arg6[%add3A_14, %dma_start3A_25] : memref<12288x256xf32, #tpu.memory_space<hbm>> -> memref<64x256xf32, #tpu.memory_space<hbm>>
        %dma_start3A_27 = arith.constant 0 : i32
        %dma_start3A_28 = tpu.memref_slice %arg6[%add3A_14, %dma_start3A_27] : memref<12288x256xf32, #tpu.memory_space<hbm>> -> memref<64x256xf32, #tpu.memory_space<hbm>>
        tpu.enqueue_dma source(%arg10 : memref<64x256xf32, #tpu.memory_space<vmem>>) target(%dma_start3A_28 : memref<64x256xf32, #tpu.memory_space<hbm>>) target_semaphore(%run_scoped3A : memref<!tpu.dma_semaphore, #tpu.memory_space<semaphore_mem>>)
        %dma_wait3A_29 = arith.constant 0 : i32
        %dma_wait3A_30 = tpu.memref_slice %arg6[%add3A_14, %dma_wait3A_29] : memref<12288x256xf32, #tpu.memory_space<hbm>> -> memref<64x256xf32, #tpu.memory_space<hbm>>
        %dma_wait3A_31 = arith.constant 0 : i32
        %dma_wait3A_32 = tpu.memref_slice %arg6[%add3A_14, %dma_wait3A_31] : memref<12288x256xf32, #tpu.memory_space<hbm>> -> memref<64x256xf32, #tpu.memory_space<hbm>>
        tpu.wait_dma2 semaphore(%run_scoped3A : memref<!tpu.dma_semaphore, #tpu.memory_space<semaphore_mem>>) src(%arg10 : memref<64x256xf32, #tpu.memory_space<vmem>>) dst(%dma_wait3A_32 : memref<64x256xf32, #tpu.memory_space<hbm>>)
        tpu.yield
      }) : () -> ()
    }
    %scan3A_4 = arith.constant 6 : i32
    return
  }
}

module attributes {stable_mosaic.version = 14 : i64} {
  func.func @_attn_body(%arg0: i32, %arg1: memref<1x384x256xf32, #tpu.memory_space<vmem>>, %arg2: memref<1x256xf32, #tpu.memory_space<vmem>>, %arg3: memref<256x256xf32, #tpu.memory_space<vmem>>, %arg4: memref<256x128xf32, #tpu.memory_space<vmem>>, %arg5: memref<256x128xf32, #tpu.memory_space<vmem>>, %arg6: memref<256x256xf32, #tpu.memory_space<vmem>>, %arg7: memref<384x64xf32, #tpu.memory_space<vmem>>, %arg8: memref<384x64xf32, #tpu.memory_space<vmem>>, %arg9: memref<1x384x256xf32, #tpu.memory_space<vmem>>) attributes {dimension_semantics = [#tpu.dimension_semantics<arbitrary>], iteration_bounds = array<i64: 32>, scalar_prefetch = 0 : i64, scratch_operands = 0 : i64, tpu.core_type = #tpu.core_type<tc>, window_params = [{transform_indices = @transform_0, window_bounds = array<i64: 1, 384, 256>}, {pipeline_mode = #tpu.pipeline_mode<synchronous>, transform_indices = @transform_1, window_bounds = array<i64: 1, 256>}, {pipeline_mode = #tpu.pipeline_mode<synchronous>, transform_indices = @transform_2, window_bounds = array<i64: 256, 256>}, {pipeline_mode = #tpu.pipeline_mode<synchronous>, transform_indices = @transform_3, window_bounds = array<i64: 256, 128>}, {pipeline_mode = #tpu.pipeline_mode<synchronous>, transform_indices = @transform_4, window_bounds = array<i64: 256, 128>}, {pipeline_mode = #tpu.pipeline_mode<synchronous>, transform_indices = @transform_5, window_bounds = array<i64: 256, 256>}, {pipeline_mode = #tpu.pipeline_mode<synchronous>, transform_indices = @transform_6, window_bounds = array<i64: 384, 64>}, {pipeline_mode = #tpu.pipeline_mode<synchronous>, transform_indices = @transform_7, window_bounds = array<i64: 384, 64>}, {transform_indices = @transform_8, window_bounds = array<i64: 1, 384, 256>}]} {
    %get3A = arith.constant 0 : index
    %get3A_0 = arith.constant 0 : index
    %get3A_1 = arith.constant 0 : index
    %get3A_2 = vector.load %arg1[%get3A, %get3A_0, %get3A_1] : memref<1x384x256xf32, #tpu.memory_space<vmem>>, vector<1x384x256xf32>
    %get3A_3 = vector.shape_cast %get3A_2 : vector<1x384x256xf32> to vector<384x256xf32>
    %mul3A = arith.mulf %get3A_3, %get3A_3 : vector<384x256xf32>
    %reduce_sum3A = arith.constant dense<0.000000e+00> : vector<384xf32>
    %reduce_sum3A_4 = vector.multi_reduction <add>, %mul3A, %reduce_sum3A [1] : vector<384x256xf32> to vector<384xf32>
    %broadcast_in_dim3A = vector.shape_cast %reduce_sum3A_4 : vector<384xf32> to vector<384x1xf32>
    %div3A = arith.constant 2.560000e+02 : f32
    %div3A_5 = vector.broadcast %div3A : f32 to vector<384x1xf32>
    %div3A_6 = arith.divf %broadcast_in_dim3A, %div3A_5 : vector<384x1xf32>
    %add3A = arith.constant 9.99999997E-7 : f32
    %add3A_7 = vector.broadcast %add3A : f32 to vector<384x1xf32>
    %add3A_8 = arith.addf %div3A_6, %add3A_7 : vector<384x1xf32>
    %rsqrt3A = math.rsqrt %add3A_8 : vector<384x1xf32>
    %mul3A_9 = vector.broadcast %rsqrt3A : vector<384x1xf32> to vector<384x256xf32>
    %mul3A_10 = arith.mulf %get3A_3, %mul3A_9 : vector<384x256xf32>
    %get3A_11 = arith.constant 0 : index
    %get3A_12 = arith.constant 0 : index
    %get3A_13 = vector.load %arg2[%get3A_11, %get3A_12] : memref<1x256xf32, #tpu.memory_space<vmem>>, vector<1x256xf32>
    %mul3A_14 = vector.broadcast %get3A_13 : vector<1x256xf32> to vector<384x256xf32>
    %mul3A_15 = arith.mulf %mul3A_10, %mul3A_14 : vector<384x256xf32>
    %get3A_16 = arith.constant 0 : index
    %get3A_17 = arith.constant 0 : index
    %get3A_18 = vector.load %arg3[%get3A_16, %get3A_17] : memref<256x256xf32, #tpu.memory_space<vmem>>, vector<256x256xf32>
    %dot_general3A = arith.constant dense<0.000000e+00> : vector<384x256xf32>
    %dot_general3A_19 = tpu.matmul %mul3A_15, %get3A_18, %dot_general3A {dimension_numbers = #tpu.dot_dimension_numbers<[1], [0], [0], [1], [0, 0, 1, 1], [], []>, transpose_lhs_hint = false} : vector<384x256xf32>, vector<256x256xf32>, vector<384x256xf32> -> vector<384x256xf32>
    %get3A_20 = arith.constant 0 : index
    %get3A_21 = arith.constant 0 : index
    %get3A_22 = vector.load %arg4[%get3A_20, %get3A_21] : memref<256x128xf32, #tpu.memory_space<vmem>>, vector<256x128xf32>
    %dot_general3A_23 = arith.constant dense<0.000000e+00> : vector<384x128xf32>
    %dot_general3A_24 = tpu.matmul %mul3A_15, %get3A_22, %dot_general3A_23 {dimension_numbers = #tpu.dot_dimension_numbers<[1], [0], [0], [1], [0, 0, 1, 1], [], []>, transpose_lhs_hint = false} : vector<384x256xf32>, vector<256x128xf32>, vector<384x128xf32> -> vector<384x128xf32>
    %get3A_25 = arith.constant 0 : index
    %get3A_26 = arith.constant 0 : index
    %get3A_27 = vector.load %arg5[%get3A_25, %get3A_26] : memref<256x128xf32, #tpu.memory_space<vmem>>, vector<256x128xf32>
    %dot_general3A_28 = arith.constant dense<0.000000e+00> : vector<384x128xf32>
    %dot_general3A_29 = tpu.matmul %mul3A_15, %get3A_27, %dot_general3A_28 {dimension_numbers = #tpu.dot_dimension_numbers<[1], [0], [0], [1], [0, 0, 1, 1], [], []>, transpose_lhs_hint = false} : vector<384x256xf32>, vector<256x128xf32>, vector<384x128xf32> -> vector<384x128xf32>
    %get3A_30 = arith.constant 0 : index
    %get3A_31 = arith.constant 0 : index
    %get3A_32 = vector.load %arg7[%get3A_30, %get3A_31] : memref<384x64xf32, #tpu.memory_space<vmem>>, vector<384x64xf32>
    %get3A_33 = arith.constant 0 : index
    %get3A_34 = arith.constant 0 : index
    %get3A_35 = vector.load %arg8[%get3A_33, %get3A_34] : memref<384x64xf32, #tpu.memory_space<vmem>>, vector<384x64xf32>
    %iota3A = tpu.iota {dimensions = array<i32: 0>} : vector<384x384xi32>
    %iota3A_36 = tpu.iota {dimensions = array<i32: 1>} : vector<384x384xi32>
    %ge3A = arith.cmpi sge, %iota3A, %iota3A_36 : vector<384x384xi32>
    %slice3A = vector.extract_strided_slice %dot_general3A_24 {offsets = [0, 0], sizes = [384, 64], strides = [1, 1]} : vector<384x128xf32> to vector<384x64xf32>
    %slice3A_37 = vector.extract_strided_slice %slice3A {offsets = [0, 32], sizes = [384, 32], strides = [1, 1]} : vector<384x64xf32> to vector<384x32xf32>
    %neg3A = arith.constant 0.000000e+00 : f32
    %neg3A_38 = vector.broadcast %neg3A : f32 to vector<384x32xf32>
    %neg3A_39 = arith.subf %neg3A_38, %slice3A_37 : vector<384x32xf32>
    %slice3A_40 = vector.extract_strided_slice %slice3A {offsets = [0, 0], sizes = [384, 32], strides = [1, 1]} : vector<384x64xf32> to vector<384x32xf32>
    %concatenate3A = tpu.concatenate %neg3A_39, %slice3A_40 in 1 : vector<384x32xf32>, vector<384x32xf32> -> vector<384x64xf32>
    %mul3A_41 = arith.mulf %slice3A, %get3A_32 : vector<384x64xf32>
    %mul3A_42 = arith.mulf %concatenate3A, %get3A_35 : vector<384x64xf32>
    %add3A_43 = arith.addf %mul3A_41, %mul3A_42 : vector<384x64xf32>
    %slice3A_44 = vector.extract_strided_slice %dot_general3A_24 {offsets = [0, 64], sizes = [384, 64], strides = [1, 1]} : vector<384x128xf32> to vector<384x64xf32>
    %slice3A_45 = vector.extract_strided_slice %slice3A_44 {offsets = [0, 32], sizes = [384, 32], strides = [1, 1]} : vector<384x64xf32> to vector<384x32xf32>
    %neg3A_46 = arith.constant 0.000000e+00 : f32
    %neg3A_47 = vector.broadcast %neg3A_46 : f32 to vector<384x32xf32>
    %neg3A_48 = arith.subf %neg3A_47, %slice3A_45 : vector<384x32xf32>
    %slice3A_49 = vector.extract_strided_slice %slice3A_44 {offsets = [0, 0], sizes = [384, 32], strides = [1, 1]} : vector<384x64xf32> to vector<384x32xf32>
    %concatenate3A_50 = tpu.concatenate %neg3A_48, %slice3A_49 in 1 : vector<384x32xf32>, vector<384x32xf32> -> vector<384x64xf32>
    %mul3A_51 = arith.mulf %slice3A_44, %get3A_32 : vector<384x64xf32>
    %mul3A_52 = arith.mulf %concatenate3A_50, %get3A_35 : vector<384x64xf32>
    %add3A_53 = arith.addf %mul3A_51, %mul3A_52 : vector<384x64xf32>
    %slice3A_54 = vector.extract_strided_slice %dot_general3A_19 {offsets = [0, 0], sizes = [384, 64], strides = [1, 1]} : vector<384x256xf32> to vector<384x64xf32>
    %slice3A_55 = vector.extract_strided_slice %slice3A_54 {offsets = [0, 32], sizes = [384, 32], strides = [1, 1]} : vector<384x64xf32> to vector<384x32xf32>
    %neg3A_56 = arith.constant 0.000000e+00 : f32
    %neg3A_57 = vector.broadcast %neg3A_56 : f32 to vector<384x32xf32>
    %neg3A_58 = arith.subf %neg3A_57, %slice3A_55 : vector<384x32xf32>
    %slice3A_59 = vector.extract_strided_slice %slice3A_54 {offsets = [0, 0], sizes = [384, 32], strides = [1, 1]} : vector<384x64xf32> to vector<384x32xf32>
    %concatenate3A_60 = tpu.concatenate %neg3A_58, %slice3A_59 in 1 : vector<384x32xf32>, vector<384x32xf32> -> vector<384x64xf32>
    %mul3A_61 = arith.mulf %slice3A_54, %get3A_32 : vector<384x64xf32>
    %mul3A_62 = arith.mulf %concatenate3A_60, %get3A_35 : vector<384x64xf32>
    %add3A_63 = arith.addf %mul3A_61, %mul3A_62 : vector<384x64xf32>
    %slice3A_64 = vector.extract_strided_slice %dot_general3A_29 {offsets = [0, 0], sizes = [384, 64], strides = [1, 1]} : vector<384x128xf32> to vector<384x64xf32>
    %dot_general3A_65 = arith.constant dense<0.000000e+00> : vector<384x384xf32>
    %dot_general3A_66 = tpu.matmul %add3A_63, %add3A_43, %dot_general3A_65 {dimension_numbers = #tpu.dot_dimension_numbers<[1], [1], [0], [0], [0, 0, 1, 0], [], []>, transpose_lhs_hint = false} : vector<384x64xf32>, vector<384x64xf32>, vector<384x384xf32> -> vector<384x384xf32>
    %mul3A_67 = arith.constant 1.250000e-01 : f32
    %mul3A_68 = vector.broadcast %mul3A_67 : f32 to vector<384x384xf32>
    %mul3A_69 = arith.mulf %dot_general3A_66, %mul3A_68 : vector<384x384xf32>
    %jit3A = arith.constant -1.000000e+30 : f32
    %broadcast_in_dim3A_70 = vector.broadcast %jit3A : f32 to vector<384x384xf32>
    %select_n3A = arith.select %ge3A, %mul3A_69, %broadcast_in_dim3A_70 : vector<384x384xi1>, vector<384x384xf32>
    %reduce_max3A = arith.constant dense<0xFF800000> : vector<384xf32>
    %reduce_max3A_71 = vector.multi_reduction <maximumf>, %select_n3A, %reduce_max3A [1] : vector<384x384xf32> to vector<384xf32>
    %broadcast_in_dim3A_72 = vector.shape_cast %reduce_max3A_71 : vector<384xf32> to vector<384x1xf32>
    %sub3A = vector.broadcast %broadcast_in_dim3A_72 : vector<384x1xf32> to vector<384x384xf32>
    %sub3A_73 = arith.subf %select_n3A, %sub3A : vector<384x384xf32>
    %exp3A = math.exp %sub3A_73 : vector<384x384xf32>
    %reduce_sum3A_74 = arith.constant dense<0.000000e+00> : vector<384xf32>
    %reduce_sum3A_75 = vector.multi_reduction <add>, %exp3A, %reduce_sum3A_74 [1] : vector<384x384xf32> to vector<384xf32>
    %broadcast_in_dim3A_76 = vector.shape_cast %reduce_sum3A_75 : vector<384xf32> to vector<384x1xf32>
    %div3A_77 = vector.broadcast %broadcast_in_dim3A_76 : vector<384x1xf32> to vector<384x384xf32>
    %div3A_78 = arith.divf %exp3A, %div3A_77 : vector<384x384xf32>
    %dot_general3A_79 = arith.constant dense<0.000000e+00> : vector<384x64xf32>
    %dot_general3A_80 = tpu.matmul %div3A_78, %slice3A_64, %dot_general3A_79 {dimension_numbers = #tpu.dot_dimension_numbers<[1], [0], [0], [1], [0, 0, 1, 1], [], []>, transpose_lhs_hint = false} : vector<384x384xf32>, vector<384x64xf32>, vector<384x64xf32> -> vector<384x64xf32>
    %slice3A_81 = vector.extract_strided_slice %dot_general3A_19 {offsets = [0, 64], sizes = [384, 64], strides = [1, 1]} : vector<384x256xf32> to vector<384x64xf32>
    %slice3A_82 = vector.extract_strided_slice %slice3A_81 {offsets = [0, 32], sizes = [384, 32], strides = [1, 1]} : vector<384x64xf32> to vector<384x32xf32>
    %neg3A_83 = arith.constant 0.000000e+00 : f32
    %neg3A_84 = vector.broadcast %neg3A_83 : f32 to vector<384x32xf32>
    %neg3A_85 = arith.subf %neg3A_84, %slice3A_82 : vector<384x32xf32>
    %slice3A_86 = vector.extract_strided_slice %slice3A_81 {offsets = [0, 0], sizes = [384, 32], strides = [1, 1]} : vector<384x64xf32> to vector<384x32xf32>
    %concatenate3A_87 = tpu.concatenate %neg3A_85, %slice3A_86 in 1 : vector<384x32xf32>, vector<384x32xf32> -> vector<384x64xf32>
    %mul3A_88 = arith.mulf %slice3A_81, %get3A_32 : vector<384x64xf32>
    %mul3A_89 = arith.mulf %concatenate3A_87, %get3A_35 : vector<384x64xf32>
    %add3A_90 = arith.addf %mul3A_88, %mul3A_89 : vector<384x64xf32>
    %slice3A_91 = vector.extract_strided_slice %dot_general3A_29 {offsets = [0, 0], sizes = [384, 64], strides = [1, 1]} : vector<384x128xf32> to vector<384x64xf32>
    %dot_general3A_92 = arith.constant dense<0.000000e+00> : vector<384x384xf32>
    %dot_general3A_93 = tpu.matmul %add3A_90, %add3A_43, %dot_general3A_92 {dimension_numbers = #tpu.dot_dimension_numbers<[1], [1], [0], [0], [0, 0, 1, 0], [], []>, transpose_lhs_hint = false} : vector<384x64xf32>, vector<384x64xf32>, vector<384x384xf32> -> vector<384x384xf32>
    %mul3A_94 = arith.constant 1.250000e-01 : f32
    %mul3A_95 = vector.broadcast %mul3A_94 : f32 to vector<384x384xf32>
    %mul3A_96 = arith.mulf %dot_general3A_93, %mul3A_95 : vector<384x384xf32>
    %jit3A_97 = arith.constant -1.000000e+30 : f32
    %broadcast_in_dim3A_98 = vector.broadcast %jit3A_97 : f32 to vector<384x384xf32>
    %select_n3A_99 = arith.select %ge3A, %mul3A_96, %broadcast_in_dim3A_98 : vector<384x384xi1>, vector<384x384xf32>
    %reduce_max3A_100 = arith.constant dense<0xFF800000> : vector<384xf32>
    %reduce_max3A_101 = vector.multi_reduction <maximumf>, %select_n3A_99, %reduce_max3A_100 [1] : vector<384x384xf32> to vector<384xf32>
    %broadcast_in_dim3A_102 = vector.shape_cast %reduce_max3A_101 : vector<384xf32> to vector<384x1xf32>
    %sub3A_103 = vector.broadcast %broadcast_in_dim3A_102 : vector<384x1xf32> to vector<384x384xf32>
    %sub3A_104 = arith.subf %select_n3A_99, %sub3A_103 : vector<384x384xf32>
    %exp3A_105 = math.exp %sub3A_104 : vector<384x384xf32>
    %reduce_sum3A_106 = arith.constant dense<0.000000e+00> : vector<384xf32>
    %reduce_sum3A_107 = vector.multi_reduction <add>, %exp3A_105, %reduce_sum3A_106 [1] : vector<384x384xf32> to vector<384xf32>
    %broadcast_in_dim3A_108 = vector.shape_cast %reduce_sum3A_107 : vector<384xf32> to vector<384x1xf32>
    %div3A_109 = vector.broadcast %broadcast_in_dim3A_108 : vector<384x1xf32> to vector<384x384xf32>
    %div3A_110 = arith.divf %exp3A_105, %div3A_109 : vector<384x384xf32>
    %dot_general3A_111 = arith.constant dense<0.000000e+00> : vector<384x64xf32>
    %dot_general3A_112 = tpu.matmul %div3A_110, %slice3A_91, %dot_general3A_111 {dimension_numbers = #tpu.dot_dimension_numbers<[1], [0], [0], [1], [0, 0, 1, 1], [], []>, transpose_lhs_hint = false} : vector<384x384xf32>, vector<384x64xf32>, vector<384x64xf32> -> vector<384x64xf32>
    %slice3A_113 = vector.extract_strided_slice %dot_general3A_19 {offsets = [0, 128], sizes = [384, 64], strides = [1, 1]} : vector<384x256xf32> to vector<384x64xf32>
    %slice3A_114 = vector.extract_strided_slice %slice3A_113 {offsets = [0, 32], sizes = [384, 32], strides = [1, 1]} : vector<384x64xf32> to vector<384x32xf32>
    %neg3A_115 = arith.constant 0.000000e+00 : f32
    %neg3A_116 = vector.broadcast %neg3A_115 : f32 to vector<384x32xf32>
    %neg3A_117 = arith.subf %neg3A_116, %slice3A_114 : vector<384x32xf32>
    %slice3A_118 = vector.extract_strided_slice %slice3A_113 {offsets = [0, 0], sizes = [384, 32], strides = [1, 1]} : vector<384x64xf32> to vector<384x32xf32>
    %concatenate3A_119 = tpu.concatenate %neg3A_117, %slice3A_118 in 1 : vector<384x32xf32>, vector<384x32xf32> -> vector<384x64xf32>
    %mul3A_120 = arith.mulf %slice3A_113, %get3A_32 : vector<384x64xf32>
    %mul3A_121 = arith.mulf %concatenate3A_119, %get3A_35 : vector<384x64xf32>
    %add3A_122 = arith.addf %mul3A_120, %mul3A_121 : vector<384x64xf32>
    %slice3A_123 = vector.extract_strided_slice %dot_general3A_29 {offsets = [0, 64], sizes = [384, 64], strides = [1, 1]} : vector<384x128xf32> to vector<384x64xf32>
    %dot_general3A_124 = arith.constant dense<0.000000e+00> : vector<384x384xf32>
    %dot_general3A_125 = tpu.matmul %add3A_122, %add3A_53, %dot_general3A_124 {dimension_numbers = #tpu.dot_dimension_numbers<[1], [1], [0], [0], [0, 0, 1, 0], [], []>, transpose_lhs_hint = false} : vector<384x64xf32>, vector<384x64xf32>, vector<384x384xf32> -> vector<384x384xf32>
    %mul3A_126 = arith.constant 1.250000e-01 : f32
    %mul3A_127 = vector.broadcast %mul3A_126 : f32 to vector<384x384xf32>
    %mul3A_128 = arith.mulf %dot_general3A_125, %mul3A_127 : vector<384x384xf32>
    %jit3A_129 = arith.constant -1.000000e+30 : f32
    %broadcast_in_dim3A_130 = vector.broadcast %jit3A_129 : f32 to vector<384x384xf32>
    %select_n3A_131 = arith.select %ge3A, %mul3A_128, %broadcast_in_dim3A_130 : vector<384x384xi1>, vector<384x384xf32>
    %reduce_max3A_132 = arith.constant dense<0xFF800000> : vector<384xf32>
    %reduce_max3A_133 = vector.multi_reduction <maximumf>, %select_n3A_131, %reduce_max3A_132 [1] : vector<384x384xf32> to vector<384xf32>
    %broadcast_in_dim3A_134 = vector.shape_cast %reduce_max3A_133 : vector<384xf32> to vector<384x1xf32>
    %sub3A_135 = vector.broadcast %broadcast_in_dim3A_134 : vector<384x1xf32> to vector<384x384xf32>
    %sub3A_136 = arith.subf %select_n3A_131, %sub3A_135 : vector<384x384xf32>
    %exp3A_137 = math.exp %sub3A_136 : vector<384x384xf32>
    %reduce_sum3A_138 = arith.constant dense<0.000000e+00> : vector<384xf32>
    %reduce_sum3A_139 = vector.multi_reduction <add>, %exp3A_137, %reduce_sum3A_138 [1] : vector<384x384xf32> to vector<384xf32>
    %broadcast_in_dim3A_140 = vector.shape_cast %reduce_sum3A_139 : vector<384xf32> to vector<384x1xf32>
    %div3A_141 = vector.broadcast %broadcast_in_dim3A_140 : vector<384x1xf32> to vector<384x384xf32>
    %div3A_142 = arith.divf %exp3A_137, %div3A_141 : vector<384x384xf32>
    %dot_general3A_143 = arith.constant dense<0.000000e+00> : vector<384x64xf32>
    %dot_general3A_144 = tpu.matmul %div3A_142, %slice3A_123, %dot_general3A_143 {dimension_numbers = #tpu.dot_dimension_numbers<[1], [0], [0], [1], [0, 0, 1, 1], [], []>, transpose_lhs_hint = false} : vector<384x384xf32>, vector<384x64xf32>, vector<384x64xf32> -> vector<384x64xf32>
    %slice3A_145 = vector.extract_strided_slice %dot_general3A_19 {offsets = [0, 192], sizes = [384, 64], strides = [1, 1]} : vector<384x256xf32> to vector<384x64xf32>
    %slice3A_146 = vector.extract_strided_slice %slice3A_145 {offsets = [0, 32], sizes = [384, 32], strides = [1, 1]} : vector<384x64xf32> to vector<384x32xf32>
    %neg3A_147 = arith.constant 0.000000e+00 : f32
    %neg3A_148 = vector.broadcast %neg3A_147 : f32 to vector<384x32xf32>
    %neg3A_149 = arith.subf %neg3A_148, %slice3A_146 : vector<384x32xf32>
    %slice3A_150 = vector.extract_strided_slice %slice3A_145 {offsets = [0, 0], sizes = [384, 32], strides = [1, 1]} : vector<384x64xf32> to vector<384x32xf32>
    %concatenate3A_151 = tpu.concatenate %neg3A_149, %slice3A_150 in 1 : vector<384x32xf32>, vector<384x32xf32> -> vector<384x64xf32>
    %mul3A_152 = arith.mulf %slice3A_145, %get3A_32 : vector<384x64xf32>
    %mul3A_153 = arith.mulf %concatenate3A_151, %get3A_35 : vector<384x64xf32>
    %add3A_154 = arith.addf %mul3A_152, %mul3A_153 : vector<384x64xf32>
    %slice3A_155 = vector.extract_strided_slice %dot_general3A_29 {offsets = [0, 64], sizes = [384, 64], strides = [1, 1]} : vector<384x128xf32> to vector<384x64xf32>
    %dot_general3A_156 = arith.constant dense<0.000000e+00> : vector<384x384xf32>
    %dot_general3A_157 = tpu.matmul %add3A_154, %add3A_53, %dot_general3A_156 {dimension_numbers = #tpu.dot_dimension_numbers<[1], [1], [0], [0], [0, 0, 1, 0], [], []>, transpose_lhs_hint = false} : vector<384x64xf32>, vector<384x64xf32>, vector<384x384xf32> -> vector<384x384xf32>
    %mul3A_158 = arith.constant 1.250000e-01 : f32
    %mul3A_159 = vector.broadcast %mul3A_158 : f32 to vector<384x384xf32>
    %mul3A_160 = arith.mulf %dot_general3A_157, %mul3A_159 : vector<384x384xf32>
    %jit3A_161 = arith.constant -1.000000e+30 : f32
    %broadcast_in_dim3A_162 = vector.broadcast %jit3A_161 : f32 to vector<384x384xf32>
    %select_n3A_163 = arith.select %ge3A, %mul3A_160, %broadcast_in_dim3A_162 : vector<384x384xi1>, vector<384x384xf32>
    %reduce_max3A_164 = arith.constant dense<0xFF800000> : vector<384xf32>
    %reduce_max3A_165 = vector.multi_reduction <maximumf>, %select_n3A_163, %reduce_max3A_164 [1] : vector<384x384xf32> to vector<384xf32>
    %broadcast_in_dim3A_166 = vector.shape_cast %reduce_max3A_165 : vector<384xf32> to vector<384x1xf32>
    %sub3A_167 = vector.broadcast %broadcast_in_dim3A_166 : vector<384x1xf32> to vector<384x384xf32>
    %sub3A_168 = arith.subf %select_n3A_163, %sub3A_167 : vector<384x384xf32>
    %exp3A_169 = math.exp %sub3A_168 : vector<384x384xf32>
    %reduce_sum3A_170 = arith.constant dense<0.000000e+00> : vector<384xf32>
    %reduce_sum3A_171 = vector.multi_reduction <add>, %exp3A_169, %reduce_sum3A_170 [1] : vector<384x384xf32> to vector<384xf32>
    %broadcast_in_dim3A_172 = vector.shape_cast %reduce_sum3A_171 : vector<384xf32> to vector<384x1xf32>
    %div3A_173 = vector.broadcast %broadcast_in_dim3A_172 : vector<384x1xf32> to vector<384x384xf32>
    %div3A_174 = arith.divf %exp3A_169, %div3A_173 : vector<384x384xf32>
    %dot_general3A_175 = arith.constant dense<0.000000e+00> : vector<384x64xf32>
    %dot_general3A_176 = tpu.matmul %div3A_174, %slice3A_155, %dot_general3A_175 {dimension_numbers = #tpu.dot_dimension_numbers<[1], [0], [0], [1], [0, 0, 1, 1], [], []>, transpose_lhs_hint = false} : vector<384x384xf32>, vector<384x64xf32>, vector<384x64xf32> -> vector<384x64xf32>
    %concatenate3A_177 = tpu.concatenate %dot_general3A_80, %dot_general3A_112, %dot_general3A_144, %dot_general3A_176 in 1 : vector<384x64xf32>, vector<384x64xf32>, vector<384x64xf32>, vector<384x64xf32> -> vector<384x256xf32>
    %get3A_178 = arith.constant 0 : index
    %get3A_179 = arith.constant 0 : index
    %get3A_180 = vector.load %arg6[%get3A_178, %get3A_179] : memref<256x256xf32, #tpu.memory_space<vmem>>, vector<256x256xf32>
    %dot_general3A_181 = arith.constant dense<0.000000e+00> : vector<384x256xf32>
    %dot_general3A_182 = tpu.matmul %concatenate3A_177, %get3A_180, %dot_general3A_181 {dimension_numbers = #tpu.dot_dimension_numbers<[1], [0], [0], [1], [0, 0, 1, 1], [], []>, transpose_lhs_hint = false} : vector<384x256xf32>, vector<256x256xf32>, vector<384x256xf32> -> vector<384x256xf32>
    %add3A_183 = arith.addf %dot_general3A_182, %get3A_3 : vector<384x256xf32>
    %swap3A = arith.constant 0 : index
    %swap3A_184 = arith.constant 0 : index
    %swap3A_185 = arith.constant 0 : index
    %swap3A_186 = vector.load %arg9[%swap3A, %swap3A_184, %swap3A_185] : memref<1x384x256xf32, #tpu.memory_space<vmem>>, vector<1x384x256xf32>
    %swap3A_187 = vector.shape_cast %swap3A_186 : vector<1x384x256xf32> to vector<384x256xf32>
    %swap3A_188 = vector.shape_cast %add3A_183 : vector<384x256xf32> to vector<1x384x256xf32>
    tpu.vector_store %arg9[%swap3A, %swap3A_184, %swap3A_185], %swap3A_188 {strides = array<i32>} : memref<1x384x256xf32, #tpu.memory_space<vmem>>, vector<1x384x256xf32>,
    return
  }
  func.func @transform_0(%arg0: i32) -> (i32, i32, i32) {
    %c0_i32 = arith.constant 0 : i32
    %c0_i32_0 = arith.constant 0 : i32
    %c0_i32_1 = arith.constant 0 : i32
    return %arg0, %c0_i32, %c0_i32_0 : i32, i32, i32
  }
  func.func @transform_1(%arg0: i32) -> (i32, i32) {
    %c0_i32 = arith.constant 0 : i32
    %c0_i32_0 = arith.constant 0 : i32
    %c0_i32_1 = arith.constant 0 : i32
    return %c0_i32, %c0_i32_0 : i32, i32
  }
  func.func @transform_2(%arg0: i32) -> (i32, i32) {
    %c0_i32 = arith.constant 0 : i32
    %c0_i32_0 = arith.constant 0 : i32
    %c0_i32_1 = arith.constant 0 : i32
    return %c0_i32, %c0_i32_0 : i32, i32
  }
  func.func @transform_3(%arg0: i32) -> (i32, i32) {
    %c0_i32 = arith.constant 0 : i32
    %c0_i32_0 = arith.constant 0 : i32
    %c0_i32_1 = arith.constant 0 : i32
    return %c0_i32, %c0_i32_0 : i32, i32
  }
  func.func @transform_4(%arg0: i32) -> (i32, i32) {
    %c0_i32 = arith.constant 0 : i32
    %c0_i32_0 = arith.constant 0 : i32
    %c0_i32_1 = arith.constant 0 : i32
    return %c0_i32, %c0_i32_0 : i32, i32
  }
  func.func @transform_5(%arg0: i32) -> (i32, i32) {
    %c0_i32 = arith.constant 0 : i32
    %c0_i32_0 = arith.constant 0 : i32
    %c0_i32_1 = arith.constant 0 : i32
    return %c0_i32, %c0_i32_0 : i32, i32
  }
  func.func @transform_6(%arg0: i32) -> (i32, i32) {
    %c0_i32 = arith.constant 0 : i32
    %c0_i32_0 = arith.constant 0 : i32
    %c0_i32_1 = arith.constant 0 : i32
    return %c0_i32, %c0_i32_0 : i32, i32
  }
  func.func @transform_7(%arg0: i32) -> (i32, i32) {
    %c0_i32 = arith.constant 0 : i32
    %c0_i32_0 = arith.constant 0 : i32
    %c0_i32_1 = arith.constant 0 : i32
    return %c0_i32, %c0_i32_0 : i32, i32
  }
  func.func @transform_8(%arg0: i32) -> (i32, i32, i32) {
    %c0_i32 = arith.constant 0 : i32
    %c0_i32_0 = arith.constant 0 : i32
    %c0_i32_1 = arith.constant 0 : i32
    return %arg0, %c0_i32, %c0_i32_0 : i32, i32, i32
  }
}

module attributes {stable_mosaic.version = 14 : i64} {
  func.func @_dest_body(%arg0: memref<48x256x8xf32, #tpu.memory_space<vmem>>, %arg1: memref<1x8xf32, #tpu.memory_space<vmem>>, %arg2: memref<48x256x8xf32, #tpu.memory_space<vmem>>) attributes {dimension_semantics = [], scalar_prefetch = 0 : i64, scratch_operands = 0 : i64, tpu.core_type = #tpu.core_type<tc>} {
    %get3A = arith.constant 0 : index
    %get3A_0 = arith.constant 0 : index
    %get3A_1 = arith.constant 0 : index
    %get3A_2 = vector.load %arg0[%get3A, %get3A_0, %get3A_1] : memref<48x256x8xf32, #tpu.memory_space<vmem>>, vector<48x256x8xf32>
    %get3A_3 = arith.constant 0 : index
    %get3A_4 = arith.constant 0 : index
    %get3A_5 = vector.load %arg1[%get3A_3, %get3A_4] : memref<1x8xf32, #tpu.memory_space<vmem>>, vector<1x8xf32>
    %reshape3A = vector.shape_cast %get3A_5 : vector<1x8xf32> to vector<1x1x8xf32>
    %iota3A = tpu.iota {dimensions = array<i32: 2>} : vector<48x256x8xi32>
    %convert_element_type3A = arith.sitofp %iota3A : vector<48x256x8xi32> to vector<48x256x8xf32>
    %slice3A = vector.extract_strided_slice %get3A_2 {offsets = [0, 0, 2], sizes = [48, 256, 1], strides = [1, 1, 1]} : vector<48x256x8xf32> to vector<48x256x1xf32>
    %slice3A_6 = vector.extract_strided_slice %get3A_2 {offsets = [0, 0, 0], sizes = [48, 256, 1], strides = [1, 1, 1]} : vector<48x256x8xf32> to vector<48x256x1xf32>
    %eq3A = vector.broadcast %slice3A_6 : vector<48x256x1xf32> to vector<48x256x8xf32>
    %eq3A_7 = arith.cmpf oeq, %convert_element_type3A, %eq3A : vector<48x256x8xf32>
    %jit3A = arith.constant 0.000000e+00 : f32
    %broadcast_in_dim3A = vector.shape_cast %reshape3A : vector<1x1x8xf32> to vector<1x1x8xf32>
    %broadcast_in_dim3A_8 = vector.broadcast %broadcast_in_dim3A : vector<1x1x8xf32> to vector<48x256x8xf32>
    %broadcast_in_dim3A_9 = vector.broadcast %jit3A : f32 to vector<48x256x8xf32>
    %select_n3A = arith.select %eq3A_7, %broadcast_in_dim3A_8, %broadcast_in_dim3A_9 : vector<48x256x8xi1>, vector<48x256x8xf32>
    %reduce_sum3A = arith.constant dense<0.000000e+00> : vector<48x256xf32>
    %reduce_sum3A_10 = vector.multi_reduction <add>, %select_n3A, %reduce_sum3A [2] : vector<48x256x8xf32> to vector<48x256xf32>
    %broadcast_in_dim3A_11 = vector.shape_cast %reduce_sum3A_10 : vector<48x256xf32> to vector<48x256x1xf32>
    %add3A = arith.addf %slice3A, %broadcast_in_dim3A_11 : vector<48x256x1xf32>
    %slice3A_12 = vector.extract_strided_slice %get3A_2 {offsets = [0, 0, 3], sizes = [48, 256, 1], strides = [1, 1, 1]} : vector<48x256x8xf32> to vector<48x256x1xf32>
    %slice3A_13 = vector.extract_strided_slice %get3A_2 {offsets = [0, 0, 1], sizes = [48, 256, 1], strides = [1, 1, 1]} : vector<48x256x8xf32> to vector<48x256x1xf32>
    %eq3A_14 = vector.broadcast %slice3A_13 : vector<48x256x1xf32> to vector<48x256x8xf32>
    %eq3A_15 = arith.cmpf oeq, %convert_element_type3A, %eq3A_14 : vector<48x256x8xf32>
    %jit3A_16 = arith.constant 0.000000e+00 : f32
    %broadcast_in_dim3A_17 = vector.shape_cast %reshape3A : vector<1x1x8xf32> to vector<1x1x8xf32>
    %broadcast_in_dim3A_18 = vector.broadcast %broadcast_in_dim3A_17 : vector<1x1x8xf32> to vector<48x256x8xf32>
    %broadcast_in_dim3A_19 = vector.broadcast %jit3A_16 : f32 to vector<48x256x8xf32>
    %select_n3A_20 = arith.select %eq3A_15, %broadcast_in_dim3A_18, %broadcast_in_dim3A_19 : vector<48x256x8xi1>, vector<48x256x8xf32>
    %reduce_sum3A_21 = arith.constant dense<0.000000e+00> : vector<48x256xf32>
    %reduce_sum3A_22 = vector.multi_reduction <add>, %select_n3A_20, %reduce_sum3A_21 [2] : vector<48x256x8xf32> to vector<48x256xf32>
    %broadcast_in_dim3A_23 = vector.shape_cast %reduce_sum3A_22 : vector<48x256xf32> to vector<48x256x1xf32>
    %add3A_24 = arith.addf %slice3A_12, %broadcast_in_dim3A_23 : vector<48x256x1xf32>
    %broadcast_in_dim3A_25 = arith.constant 0.000000e+00 : f32
    %broadcast_in_dim3A_26 = vector.broadcast %broadcast_in_dim3A_25 : f32 to vector<48x256x6xf32>
    %concatenate3A = tpu.concatenate %add3A, %add3A_24, %broadcast_in_dim3A_26 in 2 : vector<48x256x1xf32>, vector<48x256x1xf32>, vector<48x256x6xf32> -> vector<48x256x8xf32>
    %swap3A = arith.constant 0 : index
    %swap3A_27 = arith.constant 0 : index
    %swap3A_28 = arith.constant 0 : index
    %swap3A_29 = vector.load %arg2[%swap3A, %swap3A_27, %swap3A_28] : memref<48x256x8xf32, #tpu.memory_space<vmem>>, vector<48x256x8xf32>
    tpu.vector_store %arg2[%swap3A, %swap3A_27, %swap3A_28], %concatenate3A {strides = array<i32>} : memref<48x256x8xf32, #tpu.memory_space<vmem>>, vector<48x256x8xf32>,
    return
  }
}

module attributes {stable_mosaic.version = 14 : i64} {
  func.func @_router_body(%arg0: i32, %arg1: memref<256x256xf32, #tpu.memory_space<vmem>>, %arg2: memref<1x256xf32, #tpu.memory_space<vmem>>, %arg3: memref<256x8xf32, #tpu.memory_space<vmem>>, %arg4: memref<256x256xf32, #tpu.memory_space<vmem>>, %arg5: memref<8x8xf32, #tpu.memory_space<vmem>>, %arg6: memref<256x256xf32, #tpu.memory_space<vmem>>, %arg7: memref<1x256x8xf32, #tpu.memory_space<vmem>>, %arg8: memref<1x128xf32, #tpu.memory_space<vmem>>, %arg9: memref<1x8xf32, #tpu.memory_space<vmem>>, %arg10: memref<1x8xf32, #tpu.memory_space<vmem>>) attributes {dimension_semantics = [#tpu.dimension_semantics<arbitrary>], iteration_bounds = array<i64: 48>, scalar_prefetch = 0 : i64, scratch_operands = 1 : i64, tpu.core_type = #tpu.core_type<tc>, window_params = [{transform_indices = @transform_0, window_bounds = array<i64: 256, 256>}, {pipeline_mode = #tpu.pipeline_mode<synchronous>, transform_indices = @transform_1, window_bounds = array<i64: 1, 256>}, {pipeline_mode = #tpu.pipeline_mode<synchronous>, transform_indices = @transform_2, window_bounds = array<i64: 256, 8>}, {pipeline_mode = #tpu.pipeline_mode<synchronous>, transform_indices = @transform_3, window_bounds = array<i64: 256, 256>}, {pipeline_mode = #tpu.pipeline_mode<synchronous>, transform_indices = @transform_4, window_bounds = array<i64: 8, 8>}, {transform_indices = @transform_5, window_bounds = array<i64: 256, 256>}, {transform_indices = @transform_6, window_bounds = array<i64: 1, 256, 8>}, {pipeline_mode = #tpu.pipeline_mode<synchronous>, transform_indices = @transform_7, window_bounds = array<i64: 1, 128>}, {pipeline_mode = #tpu.pipeline_mode<synchronous>, transform_indices = @transform_8, window_bounds = array<i64: 1, 8>}]} {
    %eq3A = arith.constant 0 : i32
    %eq3A_0 = arith.cmpi eq, %arg0, %eq3A : i32
    %convert_element_type3A = arith.extui %eq3A_0 : i1 to i32
    %cond3A = arith.constant 0 : i32
    %cond3A_1 = arith.cmpi ne, %convert_element_type3A, %cond3A : i32
    scf.if %cond3A_1 {
      %broadcast_in_dim3A_111 = arith.constant 0.000000e+00 : f32
      %broadcast_in_dim3A_112 = vector.broadcast %broadcast_in_dim3A_111 : f32 to vector<1x8xf32>
      %swap3A_113 = arith.constant 0 : index
      %swap3A_114 = arith.constant 0 : index
      %swap3A_115 = vector.load %arg10[%swap3A_113, %swap3A_114] : memref<1x8xf32, #tpu.memory_space<vmem>>, vector<1x8xf32>
      tpu.vector_store %arg10[%swap3A_113, %swap3A_114], %broadcast_in_dim3A_112 {strides = array<i32>} : memref<1x8xf32, #tpu.memory_space<vmem>>, vector<1x8xf32>,
    } else {
    }
    %get3A = arith.constant 0 : index
    %get3A_2 = arith.constant 0 : index
    %get3A_3 = vector.load %arg1[%get3A, %get3A_2] : memref<256x256xf32, #tpu.memory_space<vmem>>, vector<256x256xf32>
    %mul3A = arith.mulf %get3A_3, %get3A_3 : vector<256x256xf32>
    %reduce_sum3A = arith.constant dense<0.000000e+00> : vector<256xf32>
    %reduce_sum3A_4 = vector.multi_reduction <add>, %mul3A, %reduce_sum3A [1] : vector<256x256xf32> to vector<256xf32>
    %broadcast_in_dim3A = vector.shape_cast %reduce_sum3A_4 : vector<256xf32> to vector<256x1xf32>
    %div3A = arith.constant 2.560000e+02 : f32
    %div3A_5 = vector.broadcast %div3A : f32 to vector<256x1xf32>
    %div3A_6 = arith.divf %broadcast_in_dim3A, %div3A_5 : vector<256x1xf32>
    %add3A = arith.constant 9.99999997E-7 : f32
    %add3A_7 = vector.broadcast %add3A : f32 to vector<256x1xf32>
    %add3A_8 = arith.addf %div3A_6, %add3A_7 : vector<256x1xf32>
    %rsqrt3A = math.rsqrt %add3A_8 : vector<256x1xf32>
    %mul3A_9 = vector.broadcast %rsqrt3A : vector<256x1xf32> to vector<256x256xf32>
    %mul3A_10 = arith.mulf %get3A_3, %mul3A_9 : vector<256x256xf32>
    %get3A_11 = arith.constant 0 : index
    %get3A_12 = arith.constant 0 : index
    %get3A_13 = vector.load %arg2[%get3A_11, %get3A_12] : memref<1x256xf32, #tpu.memory_space<vmem>>, vector<1x256xf32>
    %mul3A_14 = vector.broadcast %get3A_13 : vector<1x256xf32> to vector<256x256xf32>
    %mul3A_15 = arith.mulf %mul3A_10, %mul3A_14 : vector<256x256xf32>
    %swap3A = arith.constant 0 : index
    %swap3A_16 = arith.constant 0 : index
    %swap3A_17 = vector.load %arg6[%swap3A, %swap3A_16] : memref<256x256xf32, #tpu.memory_space<vmem>>, vector<256x256xf32>
    tpu.vector_store %arg6[%swap3A, %swap3A_16], %mul3A_15 {strides = array<i32>} : memref<256x256xf32, #tpu.memory_space<vmem>>, vector<256x256xf32>,
    %get3A_18 = arith.constant 0 : index
    %get3A_19 = arith.constant 0 : index
    %get3A_20 = vector.load %arg3[%get3A_18, %get3A_19] : memref<256x8xf32, #tpu.memory_space<vmem>>, vector<256x8xf32>
    %dot_general3A = arith.constant dense<0.000000e+00> : vector<256x8xf32>
    %dot_general3A_21 = tpu.matmul %mul3A_15, %get3A_20, %dot_general3A {dimension_numbers = #tpu.dot_dimension_numbers<[1], [0], [0], [1], [0, 0, 1, 1], [], []>, transpose_lhs_hint = false} : vector<256x256xf32>, vector<256x8xf32>, vector<256x8xf32> -> vector<256x8xf32>
    %reduce_max3A = arith.constant dense<0xFF800000> : vector<256xf32>
    %reduce_max3A_22 = vector.multi_reduction <maximumf>, %dot_general3A_21, %reduce_max3A [1] : vector<256x8xf32> to vector<256xf32>
    %broadcast_in_dim3A_23 = vector.shape_cast %reduce_max3A_22 : vector<256xf32> to vector<256x1xf32>
    %sub3A = vector.broadcast %broadcast_in_dim3A_23 : vector<256x1xf32> to vector<256x8xf32>
    %sub3A_24 = arith.subf %dot_general3A_21, %sub3A : vector<256x8xf32>
    %exp3A = math.exp %sub3A_24 : vector<256x8xf32>
    %reduce_sum3A_25 = arith.constant dense<0.000000e+00> : vector<256xf32>
    %reduce_sum3A_26 = vector.multi_reduction <add>, %exp3A, %reduce_sum3A_25 [1] : vector<256x8xf32> to vector<256xf32>
    %broadcast_in_dim3A_27 = vector.shape_cast %reduce_sum3A_26 : vector<256xf32> to vector<256x1xf32>
    %div3A_28 = vector.broadcast %broadcast_in_dim3A_27 : vector<256x1xf32> to vector<256x8xf32>
    %div3A_29 = arith.divf %exp3A, %div3A_28 : vector<256x8xf32>
    %iota3A = tpu.iota {dimensions = array<i32: 1>} : vector<256x8xi32>
    %reduce_max3A_30 = arith.constant dense<0xFF800000> : vector<256xf32>
    %reduce_max3A_31 = vector.multi_reduction <maximumf>, %div3A_29, %reduce_max3A_30 [1] : vector<256x8xf32> to vector<256xf32>
    %broadcast_in_dim3A_32 = vector.shape_cast %reduce_max3A_31 : vector<256xf32> to vector<256x1xf32>
    %eq3A_33 = vector.broadcast %broadcast_in_dim3A_32 : vector<256x1xf32> to vector<256x8xf32>
    %eq3A_34 = arith.cmpf oeq, %div3A_29, %eq3A_33 : vector<256x8xf32>
    %jit3A = arith.constant 8 : i32
    %broadcast_in_dim3A_35 = vector.broadcast %jit3A : i32 to vector<256x8xi32>
    %select_n3A = arith.select %eq3A_34, %iota3A, %broadcast_in_dim3A_35 : vector<256x8xi1>, vector<256x8xi32>
    %reduce_min3A = arith.constant dense<2147483647> : vector<256xi32>
    %reduce_min3A_36 = vector.multi_reduction <minsi>, %select_n3A, %reduce_min3A [1] : vector<256x8xi32> to vector<256xi32>
    %broadcast_in_dim3A_37 = vector.shape_cast %reduce_min3A_36 : vector<256xi32> to vector<256x1xi32>
    %eq3A_38 = vector.broadcast %broadcast_in_dim3A_37 : vector<256x1xi32> to vector<256x8xi32>
    %eq3A_39 = arith.cmpi eq, %iota3A, %eq3A_38 : vector<256x8xi32>
    %jit3A_40 = arith.constant -1.000000e+00 : f32
    %broadcast_in_dim3A_41 = vector.broadcast %jit3A_40 : f32 to vector<256x8xf32>
    %select_n3A_42 = arith.select %eq3A_39, %broadcast_in_dim3A_41, %div3A_29 : vector<256x8xi1>, vector<256x8xf32>
    %reduce_max3A_43 = arith.constant dense<0xFF800000> : vector<256xf32>
    %reduce_max3A_44 = vector.multi_reduction <maximumf>, %select_n3A_42, %reduce_max3A_43 [1] : vector<256x8xf32> to vector<256xf32>
    %broadcast_in_dim3A_45 = vector.shape_cast %reduce_max3A_44 : vector<256xf32> to vector<256x1xf32>
    %eq3A_46 = vector.broadcast %broadcast_in_dim3A_45 : vector<256x1xf32> to vector<256x8xf32>
    %eq3A_47 = arith.cmpf oeq, %select_n3A_42, %eq3A_46 : vector<256x8xf32>
    %jit3A_48 = arith.constant 8 : i32
    %broadcast_in_dim3A_49 = vector.broadcast %jit3A_48 : i32 to vector<256x8xi32>
    %select_n3A_50 = arith.select %eq3A_47, %iota3A, %broadcast_in_dim3A_49 : vector<256x8xi1>, vector<256x8xi32>
    %reduce_min3A_51 = arith.constant dense<2147483647> : vector<256xi32>
    %reduce_min3A_52 = vector.multi_reduction <minsi>, %select_n3A_50, %reduce_min3A_51 [1] : vector<256x8xi32> to vector<256xi32>
    %broadcast_in_dim3A_53 = vector.shape_cast %reduce_min3A_52 : vector<256xi32> to vector<256x1xi32>
    %add3A_54 = arith.addf %broadcast_in_dim3A_32, %broadcast_in_dim3A_45 : vector<256x1xf32>
    %add3A_55 = arith.constant 9.99999971E-10 : f32
    %add3A_56 = vector.broadcast %add3A_55 : f32 to vector<256x1xf32>
    %add3A_57 = arith.addf %add3A_54, %add3A_56 : vector<256x1xf32>
    %div3A_58 = arith.divf %broadcast_in_dim3A_32, %add3A_57 : vector<256x1xf32>
    %div3A_59 = arith.divf %broadcast_in_dim3A_45, %add3A_57 : vector<256x1xf32>
    %eq3A_60 = vector.broadcast %broadcast_in_dim3A_37 : vector<256x1xi32> to vector<256x8xi32>
    %eq3A_61 = arith.cmpi eq, %iota3A, %eq3A_60 : vector<256x8xi32>
    %convert_element_type3A_62 = arith.extui %eq3A_61 : vector<256x8xi1> to vector<256x8xi32>
    %convert_element_type3A_63 = arith.sitofp %convert_element_type3A_62 : vector<256x8xi32> to vector<256x8xf32>
    %eq3A_64 = vector.broadcast %broadcast_in_dim3A_53 : vector<256x1xi32> to vector<256x8xi32>
    %eq3A_65 = arith.cmpi eq, %iota3A, %eq3A_64 : vector<256x8xi32>
    %convert_element_type3A_66 = arith.extui %eq3A_65 : vector<256x8xi1> to vector<256x8xi32>
    %convert_element_type3A_67 = arith.sitofp %convert_element_type3A_66 : vector<256x8xi32> to vector<256x8xf32>
    %add3A_68 = arith.addf %convert_element_type3A_63, %convert_element_type3A_67 : vector<256x8xf32>
    %get3A_69 = arith.constant 0 : index
    %get3A_70 = arith.constant 0 : index
    %get3A_71 = vector.load %arg4[%get3A_69, %get3A_70] : memref<256x256xf32, #tpu.memory_space<vmem>>, vector<256x256xf32>
    %dot_general3A_72 = arith.constant dense<0.000000e+00> : vector<256x8xf32>
    %dot_general3A_73 = tpu.matmul %get3A_71, %add3A_68, %dot_general3A_72 {dimension_numbers = #tpu.dot_dimension_numbers<[1], [0], [0], [1], [0, 0, 1, 1], [], []>, transpose_lhs_hint = false} : vector<256x256xf32>, vector<256x8xf32>, vector<256x8xf32> -> vector<256x8xf32>
    %get3A_74 = arith.constant 0 : index
    %get3A_75 = arith.constant 0 : index
    %get3A_76 = vector.load %arg10[%get3A_74, %get3A_75] : memref<1x8xf32, #tpu.memory_space<vmem>>, vector<1x8xf32>
    %add3A_77 = vector.broadcast %get3A_76 : vector<1x8xf32> to vector<256x8xf32>
    %add3A_78 = arith.addf %dot_general3A_73, %add3A_77 : vector<256x8xf32>
    %mul3A_79 = arith.mulf %add3A_78, %convert_element_type3A_63 : vector<256x8xf32>
    %reduce_sum3A_80 = arith.constant dense<0.000000e+00> : vector<256xf32>
    %reduce_sum3A_81 = vector.multi_reduction <add>, %mul3A_79, %reduce_sum3A_80 [1] : vector<256x8xf32> to vector<256xf32>
    %broadcast_in_dim3A_82 = vector.shape_cast %reduce_sum3A_81 : vector<256xf32> to vector<256x1xf32>
    %add3A_83 = vector.broadcast %get3A_76 : vector<1x8xf32> to vector<256x8xf32>
    %add3A_84 = arith.addf %dot_general3A_73, %add3A_83 : vector<256x8xf32>
    %mul3A_85 = arith.mulf %add3A_84, %convert_element_type3A_67 : vector<256x8xf32>
    %reduce_sum3A_86 = arith.constant dense<0.000000e+00> : vector<256xf32>
    %reduce_sum3A_87 = vector.multi_reduction <add>, %mul3A_85, %reduce_sum3A_86 [1] : vector<256x8xf32> to vector<256xf32>
    %broadcast_in_dim3A_88 = vector.shape_cast %reduce_sum3A_87 : vector<256xf32> to vector<256x1xf32>
    %reduce_sum3A_89 = arith.constant dense<0.000000e+00> : vector<8xf32>
    %reduce_sum3A_90 = vector.multi_reduction <add>, %add3A_68, %reduce_sum3A_89 [0] : vector<256x8xf32> to vector<8xf32>
    %broadcast_in_dim3A_91 = vector.shape_cast %reduce_sum3A_90 : vector<8xf32> to vector<1x8xf32>
    %add3A_92 = arith.addf %get3A_76, %broadcast_in_dim3A_91 : vector<1x8xf32>
    %swap3A_93 = arith.constant 0 : index
    %swap3A_94 = arith.constant 0 : index
    %swap3A_95 = vector.load %arg10[%swap3A_93, %swap3A_94] : memref<1x8xf32, #tpu.memory_space<vmem>>, vector<1x8xf32>
    tpu.vector_store %arg10[%swap3A_93, %swap3A_94], %add3A_92 {strides = array<i32>} : memref<1x8xf32, #tpu.memory_space<vmem>>, vector<1x8xf32>,
    %convert_element_type3A_96 = arith.sitofp %broadcast_in_dim3A_37 : vector<256x1xi32> to vector<256x1xf32>
    %convert_element_type3A_97 = arith.sitofp %broadcast_in_dim3A_53 : vector<256x1xi32> to vector<256x1xf32>
    %broadcast_in_dim3A_98 = arith.constant 0.000000e+00 : f32
    %broadcast_in_dim3A_99 = vector.broadcast %broadcast_in_dim3A_98 : f32 to vector<256x2xf32>
    %concatenate3A = tpu.concatenate %convert_element_type3A_96, %convert_element_type3A_97, %broadcast_in_dim3A_82, %broadcast_in_dim3A_88, %div3A_58, %div3A_59, %broadcast_in_dim3A_99 in 1 : vector<256x1xf32>, vector<256x1xf32>, vector<256x1xf32>, vector<256x1xf32>, vector<256x1xf32>, vector<256x1xf32>, vector<256x2xf32> -> vector<256x8xf32>
    %swap3A_100 = arith.constant 0 : index
    %swap3A_101 = arith.constant 0 : index
    %swap3A_102 = arith.constant 0 : index
    %swap3A_103 = vector.load %arg7[%swap3A_100, %swap3A_101, %swap3A_102] : memref<1x256x8xf32, #tpu.memory_space<vmem>>, vector<1x256x8xf32>
    %swap3A_104 = vector.shape_cast %swap3A_103 : vector<1x256x8xf32> to vector<256x8xf32>
    %swap3A_105 = vector.shape_cast %concatenate3A : vector<256x8xf32> to vector<1x256x8xf32>
    tpu.vector_store %arg7[%swap3A_100, %swap3A_101, %swap3A_102], %swap3A_105 {strides = array<i32>} : memref<1x256x8xf32, #tpu.memory_space<vmem>>, vector<1x256x8xf32>,
    %eq3A_106 = arith.constant 47 : i32
    %eq3A_107 = arith.cmpi eq, %arg0, %eq3A_106 : i32
    %convert_element_type3A_108 = arith.extui %eq3A_107 : i1 to i32
    %cond3A_109 = arith.constant 0 : i32
    %cond3A_110 = arith.cmpi ne, %convert_element_type3A_108, %cond3A_109 : i32
    scf.if %cond3A_110 {
      %get3A_111 = arith.constant 0 : index
      %get3A_112 = arith.constant 0 : index
      %get3A_113 = vector.load %arg10[%get3A_111, %get3A_112] : memref<1x8xf32, #tpu.memory_space<vmem>>, vector<1x8xf32>
      %div3A_114 = arith.constant 2.560000e+02 : f32
      %div3A_115 = vector.broadcast %div3A_114 : f32 to vector<1x8xf32>
      %div3A_116 = arith.divf %get3A_113, %div3A_115 : vector<1x8xf32>
      %ceil3A = math.ceil %div3A_116 : vector<1x8xf32>
      %mul3A_117 = arith.constant 2.560000e+02 : f32
      %mul3A_118 = vector.broadcast %mul3A_117 : f32 to vector<1x8xf32>
      %mul3A_119 = arith.mulf %ceil3A, %mul3A_118 : vector<1x8xf32>
      %get3A_120 = arith.constant 0 : index
      %get3A_121 = arith.constant 0 : index
      %get3A_122 = vector.load %arg5[%get3A_120, %get3A_121] : memref<8x8xf32, #tpu.memory_space<vmem>>, vector<8x8xf32>
      %dot_general3A_123 = arith.constant dense<0.000000e+00> : vector<1x8xf32>
      %dot_general3A_124 = tpu.matmul %mul3A_119, %get3A_122, %dot_general3A_123 {dimension_numbers = #tpu.dot_dimension_numbers<[1], [0], [0], [1], [0, 0, 1, 1], [], []>, transpose_lhs_hint = false} : vector<1x8xf32>, vector<8x8xf32>, vector<1x8xf32> -> vector<1x8xf32>
      %swap3A_125 = arith.constant 0 : index
      %swap3A_126 = arith.constant 0 : index
      %swap3A_127 = vector.load %arg9[%swap3A_125, %swap3A_126] : memref<1x8xf32, #tpu.memory_space<vmem>>, vector<1x8xf32>
      tpu.vector_store %arg9[%swap3A_125, %swap3A_126], %dot_general3A_124 {strides = array<i32>} : memref<1x8xf32, #tpu.memory_space<vmem>>, vector<1x8xf32>,
      %add3A_128 = arith.addf %dot_general3A_124, %mul3A_119 : vector<1x8xf32>
      %div3A_129 = arith.constant 2.560000e+02 : f32
      %div3A_130 = vector.broadcast %div3A_129 : f32 to vector<1x8xf32>
      %div3A_131 = arith.divf %add3A_128, %div3A_130 : vector<1x8xf32>
      %iota3A_132 = tpu.iota {dimensions = array<i32: 1>} : vector<1x128xi32>
      %convert_element_type3A_133 = arith.sitofp %iota3A_132 : vector<1x128xi32> to vector<1x128xf32>
      %broadcast_in_dim3A_134 = arith.constant 0.000000e+00 : f32
      %broadcast_in_dim3A_135 = vector.broadcast %broadcast_in_dim3A_134 : f32 to vector<1x128xf32>
      %slice3A = vector.extract_strided_slice %div3A_131 {offsets = [0, 0], sizes = [1, 1], strides = [1, 1]} : vector<1x8xf32> to vector<1x1xf32>
      %squeeze3A = vector.extract %slice3A[0, 0] : f32 from vector<1x1xf32>
      %ge3A = vector.broadcast %squeeze3A : f32 to vector<1x128xf32>
      %ge3A_136 = arith.cmpf oge, %convert_element_type3A_133, %ge3A : vector<1x128xf32>
      %convert_element_type3A_137 = arith.extui %ge3A_136 : vector<1x128xi1> to vector<1x128xi32>
      %convert_element_type3A_138 = arith.sitofp %convert_element_type3A_137 : vector<1x128xi32> to vector<1x128xf32>
      %add3A_139 = arith.addf %broadcast_in_dim3A_135, %convert_element_type3A_138 : vector<1x128xf32>
      %slice3A_140 = vector.extract_strided_slice %div3A_131 {offsets = [0, 1], sizes = [1, 1], strides = [1, 1]} : vector<1x8xf32> to vector<1x1xf32>
      %squeeze3A_141 = vector.extract %slice3A_140[0, 0] : f32 from vector<1x1xf32>
      %ge3A_142 = vector.broadcast %squeeze3A_141 : f32 to vector<1x128xf32>
      %ge3A_143 = arith.cmpf oge, %convert_element_type3A_133, %ge3A_142 : vector<1x128xf32>
      %convert_element_type3A_144 = arith.extui %ge3A_143 : vector<1x128xi1> to vector<1x128xi32>
      %convert_element_type3A_145 = arith.sitofp %convert_element_type3A_144 : vector<1x128xi32> to vector<1x128xf32>
      %add3A_146 = arith.addf %add3A_139, %convert_element_type3A_145 : vector<1x128xf32>
      %slice3A_147 = vector.extract_strided_slice %div3A_131 {offsets = [0, 2], sizes = [1, 1], strides = [1, 1]} : vector<1x8xf32> to vector<1x1xf32>
      %squeeze3A_148 = vector.extract %slice3A_147[0, 0] : f32 from vector<1x1xf32>
      %ge3A_149 = vector.broadcast %squeeze3A_148 : f32 to vector<1x128xf32>
      %ge3A_150 = arith.cmpf oge, %convert_element_type3A_133, %ge3A_149 : vector<1x128xf32>
      %convert_element_type3A_151 = arith.extui %ge3A_150 : vector<1x128xi1> to vector<1x128xi32>
      %convert_element_type3A_152 = arith.sitofp %convert_element_type3A_151 : vector<1x128xi32> to vector<1x128xf32>
      %add3A_153 = arith.addf %add3A_146, %convert_element_type3A_152 : vector<1x128xf32>
      %slice3A_154 = vector.extract_strided_slice %div3A_131 {offsets = [0, 3], sizes = [1, 1], strides = [1, 1]} : vector<1x8xf32> to vector<1x1xf32>
      %squeeze3A_155 = vector.extract %slice3A_154[0, 0] : f32 from vector<1x1xf32>
      %ge3A_156 = vector.broadcast %squeeze3A_155 : f32 to vector<1x128xf32>
      %ge3A_157 = arith.cmpf oge, %convert_element_type3A_133, %ge3A_156 : vector<1x128xf32>
      %convert_element_type3A_158 = arith.extui %ge3A_157 : vector<1x128xi1> to vector<1x128xi32>
      %convert_element_type3A_159 = arith.sitofp %convert_element_type3A_158 : vector<1x128xi32> to vector<1x128xf32>
      %add3A_160 = arith.addf %add3A_153, %convert_element_type3A_159 : vector<1x128xf32>
      %slice3A_161 = vector.extract_strided_slice %div3A_131 {offsets = [0, 4], sizes = [1, 1], strides = [1, 1]} : vector<1x8xf32> to vector<1x1xf32>
      %squeeze3A_162 = vector.extract %slice3A_161[0, 0] : f32 from vector<1x1xf32>
      %ge3A_163 = vector.broadcast %squeeze3A_162 : f32 to vector<1x128xf32>
      %ge3A_164 = arith.cmpf oge, %convert_element_type3A_133, %ge3A_163 : vector<1x128xf32>
      %convert_element_type3A_165 = arith.extui %ge3A_164 : vector<1x128xi1> to vector<1x128xi32>
      %convert_element_type3A_166 = arith.sitofp %convert_element_type3A_165 : vector<1x128xi32> to vector<1x128xf32>
      %add3A_167 = arith.addf %add3A_160, %convert_element_type3A_166 : vector<1x128xf32>
      %slice3A_168 = vector.extract_strided_slice %div3A_131 {offsets = [0, 5], sizes = [1, 1], strides = [1, 1]} : vector<1x8xf32> to vector<1x1xf32>
      %squeeze3A_169 = vector.extract %slice3A_168[0, 0] : f32 from vector<1x1xf32>
      %ge3A_170 = vector.broadcast %squeeze3A_169 : f32 to vector<1x128xf32>
      %ge3A_171 = arith.cmpf oge, %convert_element_type3A_133, %ge3A_170 : vector<1x128xf32>
      %convert_element_type3A_172 = arith.extui %ge3A_171 : vector<1x128xi1> to vector<1x128xi32>
      %convert_element_type3A_173 = arith.sitofp %convert_element_type3A_172 : vector<1x128xi32> to vector<1x128xf32>
      %add3A_174 = arith.addf %add3A_167, %convert_element_type3A_173 : vector<1x128xf32>
      %slice3A_175 = vector.extract_strided_slice %div3A_131 {offsets = [0, 6], sizes = [1, 1], strides = [1, 1]} : vector<1x8xf32> to vector<1x1xf32>
      %squeeze3A_176 = vector.extract %slice3A_175[0, 0] : f32 from vector<1x1xf32>
      %ge3A_177 = vector.broadcast %squeeze3A_176 : f32 to vector<1x128xf32>
      %ge3A_178 = arith.cmpf oge, %convert_element_type3A_133, %ge3A_177 : vector<1x128xf32>
      %convert_element_type3A_179 = arith.extui %ge3A_178 : vector<1x128xi1> to vector<1x128xi32>
      %convert_element_type3A_180 = arith.sitofp %convert_element_type3A_179 : vector<1x128xi32> to vector<1x128xf32>
      %add3A_181 = arith.addf %add3A_174, %convert_element_type3A_180 : vector<1x128xf32>
      %slice3A_182 = vector.extract_strided_slice %div3A_131 {offsets = [0, 7], sizes = [1, 1], strides = [1, 1]} : vector<1x8xf32> to vector<1x1xf32>
      %squeeze3A_183 = vector.extract %slice3A_182[0, 0] : f32 from vector<1x1xf32>
      %ge3A_184 = vector.broadcast %squeeze3A_183 : f32 to vector<1x128xf32>
      %ge3A_185 = arith.cmpf oge, %convert_element_type3A_133, %ge3A_184 : vector<1x128xf32>
      %convert_element_type3A_186 = arith.extui %ge3A_185 : vector<1x128xi1> to vector<1x128xi32>
      %convert_element_type3A_187 = arith.sitofp %convert_element_type3A_186 : vector<1x128xi32> to vector<1x128xf32>
      %add3A_188 = arith.addf %add3A_181, %convert_element_type3A_187 : vector<1x128xf32>
      %min3A = arith.constant 7.000000e+00 : f32
      %min3A_189 = vector.broadcast %min3A : f32 to vector<1x128xf32>
      %min3A_190 = arith.minimumf %add3A_188, %min3A_189 : vector<1x128xf32>
      %swap3A_191 = arith.constant 0 : index
      %swap3A_192 = arith.constant 0 : index
      %swap3A_193 = vector.load %arg8[%swap3A_191, %swap3A_192] : memref<1x128xf32, #tpu.memory_space<vmem>>, vector<1x128xf32>
      tpu.vector_store %arg8[%swap3A_191, %swap3A_192], %min3A_190 {strides = array<i32>} : memref<1x128xf32, #tpu.memory_space<vmem>>, vector<1x128xf32>,
    } else {
    }
    return
  }
  func.func @transform_0(%arg0: i32) -> (i32, i32) {
    %c0_i32 = arith.constant 0 : i32
    %c0_i32_0 = arith.constant 0 : i32
    return %arg0, %c0_i32 : i32, i32
  }
  func.func @transform_1(%arg0: i32) -> (i32, i32) {
    %c0_i32 = arith.constant 0 : i32
    %c0_i32_0 = arith.constant 0 : i32
    %c0_i32_1 = arith.constant 0 : i32
    return %c0_i32, %c0_i32_0 : i32, i32
  }
  func.func @transform_2(%arg0: i32) -> (i32, i32) {
    %c0_i32 = arith.constant 0 : i32
    %c0_i32_0 = arith.constant 0 : i32
    %c0_i32_1 = arith.constant 0 : i32
    return %c0_i32, %c0_i32_0 : i32, i32
  }
  func.func @transform_3(%arg0: i32) -> (i32, i32) {
    %c0_i32 = arith.constant 0 : i32
    %c0_i32_0 = arith.constant 0 : i32
    %c0_i32_1 = arith.constant 0 : i32
    return %c0_i32, %c0_i32_0 : i32, i32
  }
  func.func @transform_4(%arg0: i32) -> (i32, i32) {
    %c0_i32 = arith.constant 0 : i32
    %c0_i32_0 = arith.constant 0 : i32
    %c0_i32_1 = arith.constant 0 : i32
    return %c0_i32, %c0_i32_0 : i32, i32
  }
  func.func @transform_5(%arg0: i32) -> (i32, i32) {
    %c0_i32 = arith.constant 0 : i32
    %c0_i32_0 = arith.constant 0 : i32
    return %arg0, %c0_i32 : i32, i32
  }
  func.func @transform_6(%arg0: i32) -> (i32, i32, i32) {
    %c0_i32 = arith.constant 0 : i32
    %c0_i32_0 = arith.constant 0 : i32
    %c0_i32_1 = arith.constant 0 : i32
    return %arg0, %c0_i32, %c0_i32_0 : i32, i32, i32
  }
  func.func @transform_7(%arg0: i32) -> (i32, i32) {
    %c0_i32 = arith.constant 0 : i32
    %c0_i32_0 = arith.constant 0 : i32
    %c0_i32_1 = arith.constant 0 : i32
    return %c0_i32, %c0_i32_0 : i32, i32
  }
  func.func @transform_8(%arg0: i32) -> (i32, i32) {
    %c0_i32 = arith.constant 0 : i32
    %c0_i32_0 = arith.constant 0 : i32
    %c0_i32_1 = arith.constant 0 : i32
    return %c0_i32, %c0_i32_0 : i32, i32
  }
}

module attributes {stable_mosaic.version = 14 : i64} {
  func.func @_gmm_body(%arg0: i32, %arg1: memref<104xi32, #tpu.memory_space<smem>>, %arg2: memref<256x256xf32, #tpu.memory_space<vmem>>, %arg3: memref<1x768x256xf32, #tpu.memory_space<vmem>>, %arg4: memref<1x768x256xf32, #tpu.memory_space<vmem>>, %arg5: memref<1x256x768xf32, #tpu.memory_space<vmem>>, %arg6: memref<256x256xf32, #tpu.memory_space<vmem>>) attributes {dimension_semantics = [#tpu.dimension_semantics<arbitrary>], iteration_bounds = array<i64: 104>, scalar_prefetch = 1 : i64, scratch_operands = 0 : i64, tpu.core_type = #tpu.core_type<tc>, window_params = [{transform_indices = @transform_0, window_bounds = array<i64: 256, 256>}, {transform_indices = @transform_1, window_bounds = array<i64: 1, 768, 256>}, {transform_indices = @transform_2, window_bounds = array<i64: 1, 768, 256>}, {transform_indices = @transform_3, window_bounds = array<i64: 1, 256, 768>}, {transform_indices = @transform_4, window_bounds = array<i64: 256, 256>}]} {
    %get3A = arith.constant 0 : index
    %get3A_0 = arith.constant 0 : index
    %get3A_1 = vector.load %arg2[%get3A, %get3A_0] : memref<256x256xf32, #tpu.memory_space<vmem>>, vector<256x256xf32>
    %get3A_2 = arith.constant 0 : index
    %get3A_3 = arith.constant 0 : index
    %get3A_4 = arith.constant 0 : index
    %get3A_5 = vector.load %arg3[%get3A_2, %get3A_3, %get3A_4] : memref<1x768x256xf32, #tpu.memory_space<vmem>>, vector<1x768x256xf32>
    %get3A_6 = vector.shape_cast %get3A_5 : vector<1x768x256xf32> to vector<768x256xf32>
    %dot_general3A = arith.constant dense<0.000000e+00> : vector<256x768xf32>
    %dot_general3A_7 = tpu.matmul %get3A_1, %get3A_6, %dot_general3A {dimension_numbers = #tpu.dot_dimension_numbers<[1], [1], [0], [0], [0, 0, 1, 0], [], []>, transpose_lhs_hint = false} : vector<256x256xf32>, vector<768x256xf32>, vector<256x768xf32> -> vector<256x768xf32>
    %get3A_8 = arith.constant 0 : index
    %get3A_9 = arith.constant 0 : index
    %get3A_10 = arith.constant 0 : index
    %get3A_11 = vector.load %arg4[%get3A_8, %get3A_9, %get3A_10] : memref<1x768x256xf32, #tpu.memory_space<vmem>>, vector<1x768x256xf32>
    %get3A_12 = vector.shape_cast %get3A_11 : vector<1x768x256xf32> to vector<768x256xf32>
    %dot_general3A_13 = arith.constant dense<0.000000e+00> : vector<256x768xf32>
    %dot_general3A_14 = tpu.matmul %get3A_1, %get3A_12, %dot_general3A_13 {dimension_numbers = #tpu.dot_dimension_numbers<[1], [1], [0], [0], [0, 0, 1, 0], [], []>, transpose_lhs_hint = false} : vector<256x256xf32>, vector<768x256xf32>, vector<256x768xf32> -> vector<256x768xf32>
    %neg3A = arith.constant 0.000000e+00 : f32
    %neg3A_15 = vector.broadcast %neg3A : f32 to vector<256x768xf32>
    %neg3A_16 = arith.subf %neg3A_15, %dot_general3A_7 : vector<256x768xf32>
    %exp3A = math.exp %neg3A_16 : vector<256x768xf32>
    %add3A = arith.constant 1.000000e+00 : f32
    %add3A_17 = vector.broadcast %add3A : f32 to vector<256x768xf32>
    %add3A_18 = arith.addf %add3A_17, %exp3A : vector<256x768xf32>
    %div3A = arith.constant 1.000000e+00 : f32
    %div3A_19 = vector.broadcast %div3A : f32 to vector<256x768xf32>
    %div3A_20 = arith.divf %div3A_19, %add3A_18 : vector<256x768xf32>
    %mul3A = arith.mulf %dot_general3A_7, %div3A_20 : vector<256x768xf32>
    %mul3A_21 = arith.mulf %mul3A, %dot_general3A_14 : vector<256x768xf32>
    %get3A_22 = arith.constant 0 : index
    %get3A_23 = arith.constant 0 : index
    %get3A_24 = arith.constant 0 : index
    %get3A_25 = vector.load %arg5[%get3A_22, %get3A_23, %get3A_24] : memref<1x256x768xf32, #tpu.memory_space<vmem>>, vector<1x256x768xf32>
    %get3A_26 = vector.shape_cast %get3A_25 : vector<1x256x768xf32> to vector<256x768xf32>
    %dot_general3A_27 = arith.constant dense<0.000000e+00> : vector<256x256xf32>
    %dot_general3A_28 = tpu.matmul %mul3A_21, %get3A_26, %dot_general3A_27 {dimension_numbers = #tpu.dot_dimension_numbers<[1], [1], [0], [0], [0, 0, 1, 0], [], []>, transpose_lhs_hint = false} : vector<256x768xf32>, vector<256x768xf32>, vector<256x256xf32> -> vector<256x256xf32>
    %swap3A = arith.constant 0 : index
    %swap3A_29 = arith.constant 0 : index
    %swap3A_30 = vector.load %arg6[%swap3A, %swap3A_29] : memref<256x256xf32, #tpu.memory_space<vmem>>, vector<256x256xf32>
    tpu.vector_store %arg6[%swap3A, %swap3A_29], %dot_general3A_28 {strides = array<i32>} : memref<256x256xf32, #tpu.memory_space<vmem>>, vector<256x256xf32>,
    return
  }
  func.func @transform_0(%arg0: i32, %arg1: memref<104xi32, #tpu.memory_space<smem>>) -> (i32, i32) {
    %c0_i32 = arith.constant 0 : i32
    %c0_i32_0 = arith.constant 0 : i32
    return %arg0, %c0_i32 : i32, i32
  }
  func.func @transform_1(%arg0: i32, %arg1: memref<104xi32, #tpu.memory_space<smem>>) -> (i32, i32, i32) {
    %get3A = arith.index_cast %arg0 : i32 to index
    %get3A_0 = memref.load %arg1[%get3A] : memref<104xi32, #tpu.memory_space<smem>>
    %c0_i32 = arith.constant 0 : i32
    %c0_i32_1 = arith.constant 0 : i32
    %c0_i32_2 = arith.constant 0 : i32
    return %get3A_0, %c0_i32, %c0_i32_1 : i32, i32, i32
  }
  func.func @transform_2(%arg0: i32, %arg1: memref<104xi32, #tpu.memory_space<smem>>) -> (i32, i32, i32) {
    %get3A = arith.index_cast %arg0 : i32 to index
    %get3A_0 = memref.load %arg1[%get3A] : memref<104xi32, #tpu.memory_space<smem>>
    %c0_i32 = arith.constant 0 : i32
    %c0_i32_1 = arith.constant 0 : i32
    %c0_i32_2 = arith.constant 0 : i32
    return %get3A_0, %c0_i32, %c0_i32_1 : i32, i32, i32
  }
  func.func @transform_3(%arg0: i32, %arg1: memref<104xi32, #tpu.memory_space<smem>>) -> (i32, i32, i32) {
    %get3A = arith.index_cast %arg0 : i32 to index
    %get3A_0 = memref.load %arg1[%get3A] : memref<104xi32, #tpu.memory_space<smem>>
    %c0_i32 = arith.constant 0 : i32
    %c0_i32_1 = arith.constant 0 : i32
    %c0_i32_2 = arith.constant 0 : i32
    return %get3A_0, %c0_i32, %c0_i32_1 : i32, i32, i32
  }
  func.func @transform_4(%arg0: i32, %arg1: memref<104xi32, #tpu.memory_space<smem>>) -> (i32, i32) {
    %c0_i32 = arith.constant 0 : i32
    %c0_i32_0 = arith.constant 0 : i32
    return %arg0, %c0_i32 : i32, i32
  }
}

module attributes {stable_mosaic.version = 14 : i64} {
  func.func @_epilogue_body(%arg0: i32, %arg1: memref<256x256xf32, #tpu.memory_space<vmem>>, %arg2: memref<256x256xf32, #tpu.memory_space<vmem>>, %arg3: memref<256x256xf32, #tpu.memory_space<vmem>>, %arg4: memref<256x1xf32, #tpu.memory_space<vmem>>, %arg5: memref<256x1xf32, #tpu.memory_space<vmem>>, %arg6: memref<256x256xf32, #tpu.memory_space<vmem>>) attributes {dimension_semantics = [#tpu.dimension_semantics<arbitrary>], iteration_bounds = array<i64: 48>, scalar_prefetch = 0 : i64, scratch_operands = 0 : i64, tpu.core_type = #tpu.core_type<tc>, window_params = [{transform_indices = @transform_0, window_bounds = array<i64: 256, 256>}, {transform_indices = @transform_1, window_bounds = array<i64: 256, 256>}, {transform_indices = @transform_2, window_bounds = array<i64: 256, 256>}, {transform_indices = @transform_3, window_bounds = array<i64: 256, 1>}, {transform_indices = @transform_4, window_bounds = array<i64: 256, 1>}, {transform_indices = @transform_5, window_bounds = array<i64: 256, 256>}]} {
    %get3A = arith.constant 0 : index
    %get3A_0 = arith.constant 0 : index
    %get3A_1 = vector.load %arg1[%get3A, %get3A_0] : memref<256x256xf32, #tpu.memory_space<vmem>>, vector<256x256xf32>
    %get3A_2 = arith.constant 0 : index
    %get3A_3 = arith.constant 0 : index
    %get3A_4 = vector.load %arg4[%get3A_2, %get3A_3] : memref<256x1xf32, #tpu.memory_space<vmem>>, vector<256x1xf32>
    %get3A_5 = arith.constant 0 : index
    %get3A_6 = arith.constant 0 : index
    %get3A_7 = vector.load %arg2[%get3A_5, %get3A_6] : memref<256x256xf32, #tpu.memory_space<vmem>>, vector<256x256xf32>
    %mul3A = vector.broadcast %get3A_4 : vector<256x1xf32> to vector<256x256xf32>
    %mul3A_8 = arith.mulf %mul3A, %get3A_7 : vector<256x256xf32>
    %add3A = arith.addf %get3A_1, %mul3A_8 : vector<256x256xf32>
    %get3A_9 = arith.constant 0 : index
    %get3A_10 = arith.constant 0 : index
    %get3A_11 = vector.load %arg5[%get3A_9, %get3A_10] : memref<256x1xf32, #tpu.memory_space<vmem>>, vector<256x1xf32>
    %get3A_12 = arith.constant 0 : index
    %get3A_13 = arith.constant 0 : index
    %get3A_14 = vector.load %arg3[%get3A_12, %get3A_13] : memref<256x256xf32, #tpu.memory_space<vmem>>, vector<256x256xf32>
    %mul3A_15 = vector.broadcast %get3A_11 : vector<256x1xf32> to vector<256x256xf32>
    %mul3A_16 = arith.mulf %mul3A_15, %get3A_14 : vector<256x256xf32>
    %add3A_17 = arith.addf %add3A, %mul3A_16 : vector<256x256xf32>
    %swap3A = arith.constant 0 : index
    %swap3A_18 = arith.constant 0 : index
    %swap3A_19 = vector.load %arg6[%swap3A, %swap3A_18] : memref<256x256xf32, #tpu.memory_space<vmem>>, vector<256x256xf32>
    tpu.vector_store %arg6[%swap3A, %swap3A_18], %add3A_17 {strides = array<i32>} : memref<256x256xf32, #tpu.memory_space<vmem>>, vector<256x256xf32>,
    return
  }
  func.func @transform_0(%arg0: i32) -> (i32, i32) {
    %c0_i32 = arith.constant 0 : i32
    %c0_i32_0 = arith.constant 0 : i32
    return %arg0, %c0_i32 : i32, i32
  }
  func.func @transform_1(%arg0: i32) -> (i32, i32) {
    %c0_i32 = arith.constant 0 : i32
    %c0_i32_0 = arith.constant 0 : i32
    return %arg0, %c0_i32 : i32, i32
  }
  func.func @transform_2(%arg0: i32) -> (i32, i32) {
    %c0_i32 = arith.constant 0 : i32
    %c0_i32_0 = arith.constant 0 : i32
    return %arg0, %c0_i32 : i32, i32
  }
  func.func @transform_3(%arg0: i32) -> (i32, i32) {
    %c0_i32 = arith.constant 0 : i32
    %c0_i32_0 = arith.constant 0 : i32
    return %arg0, %c0_i32 : i32, i32
  }
  func.func @transform_4(%arg0: i32) -> (i32, i32) {
    %c0_i32 = arith.constant 0 : i32
    %c0_i32_0 = arith.constant 0 : i32
    return %arg0, %c0_i32 : i32, i32
  }
  func.func @transform_5(%arg0: i32) -> (i32, i32) {
    %c0_i32 = arith.constant 0 : i32
    %c0_i32_0 = arith.constant 0 : i32
    return %arg0, %c0_i32 : i32, i32
  }
}

</mosaic_0001>

<sc_bundles>
// kernel: kernel.12.cloned.1.call-start
scs
__scs_entry_jumppad:
0x0: {  	(pc) =	sbr.rel $0x88, $3  }
0x1: {  	(tag) =	ssettag $0x0;
	lr =	simm.s32 $0x1  }
0x2: {  	[smem:$0x3F96] =	sst lr;
	_ =	strace $0xD0000000  }
0x3: {  	_ = 	snop  }
0x4: {  	_ = 	snop  }
0x5: {  	_ = 	snop  }
0x6: {  	_ = 	snop  }
0x7: {  	_ = 	snop  }
__scs_overlays_trampoline_lowered:
0x8: {  	[smem:$0x3FA5] =	sst s0  }
0x9: {  	[smem:$0x3FA6] =	sst s1  }
0xa: {  	[smem:$0x3FA7] =	sst s2  }
0xb: {  	[smem:$0x3FA8] =	sst s3  }
0xc: {  	[smem:$0x3FA9] =	sst s4  }
0xd: {  	[smem:$0x3FAA] =	sst s5  }
0xe: {  	[smem:$0x3FAB] =	sst s6  }
0xf: {  	[smem:$0x3FAC] =	sst s7  }
0x10: {  	[smem:$0x3FAD] =	sst s8  }
0x11: {  	[smem:$0x3FAE] =	sst s9;
	s0 =	simm.s32 @!p0 $0x0  }
0x12: {  	s1 =	sld [smem:$0x3F94];
	s0 =	simm.s32 @p0 $0x1  }
0x13: {  	[smem:$0x3FAF] =	sst s0;
	s0 =	simm.s32 @!p1 $0x0  }
0x14: {  	s2 =	sld [smem:$0x3F93];
	s0 =	simm.s32 @p1 $0x1  }
0x15: {  	[smem:$0x3FB0] =	sst s0;
	s0 =	simm.s32 @!p2 $0x0  }
0x16: {  	s3 =	sld [smem:$0x3FDB];
	s0 =	simm.s32 @p2 $0x1  }
0x17: {  	s4 =	simm.s32 $0x1BF5;
	[smem:$0x3FB2] =	sst s0  }
0x18: {  	s0 =	sld [smem:$0x3F95];
	_ =	swait.ge [sflag:s4], $0x0  }
0x19: {  	s7 =	sld [smem:$0x3F96]  }
0x1a: {  	s8 =	sadd.s32 $0xFFFFE003, lr  }
0x1b: {  	s9 =	sadd.s32 $0xFFFFFEF7, lr;
	s5 =	simm.s32 $0xFFFFFFFF;
	p2 =	slt.u32 s8, $0xFFFFF086  }
0x1c: {  	p1 =	slt.u32 s9, $0xF7A;
	s5 =	simm.s32 @!p2 $0x0  }
0x1d: {  	s5 =	simm.s32 @p1 $0x1;
	p0 =	seq.s32 s7, s2  }
0x1e: {  	s7 =	smul.u32 @!p0 $0xF7A, s2;
	p2 =	seq.s32 @!p0 s5, $0x0  }
0x1f: {  	s9 =	smul.u32 $0xF7A, s1;
	s8 =	simm.s32 @!p0 $0x1BF5;
	p2 =	por !p2, p0  }
0x20: {  	[sflag:s8] =	ssyncset.s32 @!p0 $0xFFFFF086;
	s6 =	sadd.s32 @!p0 s3, s7;
	s7 =	simm.s32 @!p0 $0x108  }
0x21: {  	s3 =	sadd.s32 s3, s9;
	s6 =	sadd.s32 @!p0 $0x88, s6;
	s7 =	simm.s32 @p2 $0x1082  }
0x22: {  	[simem:s7], [sflag:s8] =	dma.local @!p0 [hbm:s6], $0xF7A  }
0x23: {  	s9 =	sor.u32 $0xD0000000, s2;
	s6 =	simm.s32 $0x108;
	_ =	swait.ge @!p0 [sflag:s8], $0x0  }
0x24: {  	s3 =	sadd.s32 $0x88, s3;
	s6 =	simm.s32 @!p1 $0x1082;
	[sflag:s4] =	ssyncset.s32 $0xFFFFF086  }
0x25: {  	[simem:s6], [sflag:s4] =	dma.local [hbm:s3], $0xF7A  }
0x26: {  	[smem:$0x3F96] =	sst s1;
	(tag) =	ssettag s2;
	_ =	strace s9  }
0x27: {  	s1 =	sld [smem:$0x3FA6]  }
0x28: {  	s2 =	sld [smem:$0x3FA7]  }
0x29: {  	s4 =	sld [smem:$0x3FA9]  }
0x2a: {  	p0 =	seq.s32 s5, $0x0;
	s5 =	sld [smem:$0x3FAA]  }
0x2b: {  	s6 =	sld [smem:$0x3FAB]  }
0x2c: {  	s7 =	sld [smem:$0x3FAC]  }
0x2d: {  	s3 =	simm.s32 $0x108;
	s8 =	sld [smem:$0x3FAD]  }
0x2e: {  	s3 =	simm.s32 @!p0 $0x1082;
	s9 =	sld [smem:$0x3FAE]  }
0x2f: {  	lr =	sadd.s32 s0, s3;
	s0 =	sld [smem:$0x3FA5]  }
0x30: {  	s3 =	sld [smem:$0x3FA8]  }
0x31: {  	[smem:$0x3FB1] =	sst s10  }
0x32: {  	s10 =	sld [smem:$0x3FAF];
	_ =	sdelay $0x3  }
0x33: {  	p0 =	seq.s32 s10, $0x1;
	s10 =	sld [smem:$0x3FB1];
	_ =	sdelay $0x3  }
0x34: {  	[smem:$0x3FB1] =	sst s10  }
0x35: {  	s10 =	sld [smem:$0x3FB0];
	_ =	sdelay $0x3  }
0x36: {  	p1 =	seq.s32 s10, $0x1;
	s10 =	sld [smem:$0x3FB1];
	_ =	sdelay $0x3  }
0x37: {  	[smem:$0x3FB1] =	sst s10  }
0x38: {  	s10 =	sld [smem:$0x3FB2]  }
0x39: {  	_ = 	snop;
	(pc) =	sbr.ind lr, $3  }
0x3a: {  	_ = 	snop  }
0x3b: {  	_ = 	snop  }
0x3c: {  	p2 =	seq.s32 s10, $0x1;
	s10 =	sld [smem:$0x3FB1]  }
0x3d: {  	_ =	shalt  }
0x3e: {  	_ =	shalt  }
0x3f: {  	_ =	shalt  }
0x40: {  	_ =	shalt  }
0x41: {  	_ =	shalt  }
0x42: {  	_ =	shalt  }
0x43: {  	_ =	shalt  }
0x44: {  	_ =	shalt  }
0x45: {  	_ =	shalt  }
0x46: {  	_ =	shalt  }
0x47: {  	_ =	shalt  }
0x48: {  	_ =	shalt  }
0x49: {  	_ =	shalt  }
0x4a: {  	_ =	shalt  }
0x4b: {  	_ =	shalt  }
0x4c: {  	_ =	shalt  }
0x4d: {  	_ =	shalt  }
0x4e: {  	_ =	shalt  }
0x4f: {  	_ =	shalt  }
0x50: {  	_ =	shalt  }
0x51: {  	_ =	shalt  }
0x52: {  	_ =	shalt  }
0x53: {  	_ =	shalt  }
0x54: {  	_ =	shalt  }
0x55: {  	_ =	shalt  }
0x56: {  	_ =	shalt  }
0x57: {  	_ =	shalt  }
0x58: {  	_ =	shalt  }
0x59: {  	_ =	shalt  }
0x5a: {  	_ =	shalt  }
0x5b: {  	_ =	shalt  }
0x5c: {  	_ =	shalt  }
0x5d: {  	_ =	shalt  }
0x5e: {  	_ =	shalt  }
0x5f: {  	_ =	shalt  }
0x60: {  	_ =	shalt  }
0x61: {  	_ =	shalt  }
0x62: {  	_ =	shalt  }
0x63: {  	_ =	shalt  }
0x64: {  	_ =	shalt  }
0x65: {  	_ =	shalt  }
0x66: {  	_ =	shalt  }
0x67: {  	_ =	shalt  }
0x68: {  	_ =	shalt  }
0x69: {  	_ =	shalt  }
0x6a: {  	_ =	shalt  }
0x6b: {  	_ =	shalt  }
0x6c: {  	_ =	shalt  }
0x6d: {  	_ =	shalt  }
0x6e: {  	_ =	shalt  }
0x6f: {  	_ =	shalt  }
0x70: {  	_ =	shalt  }
0x71: {  	_ =	shalt  }
0x72: {  	_ =	shalt  }
0x73: {  	_ =	shalt  }
0x74: {  	_ =	shalt  }
0x75: {  	_ =	shalt  }
0x76: {  	_ =	shalt  }
0x77: {  	_ =	shalt  }
0x78: {  	_ =	shalt  }
0x79: {  	_ =	shalt  }
0x7a: {  	_ =	shalt  }
0x7b: {  	_ =	shalt  }
0x7c: {  	_ =	shalt  }
0x7d: {  	_ =	shalt  }
0x7e: {  	_ =	shalt  }
0x7f: {  	_ =	shalt  }
0x80: {  	_ =	shalt  }
0x81: {  	_ =	shalt  }
0x82: {  	_ =	shalt  }
0x83: {  	_ =	shalt  }
0x84: {  	_ =	shalt  }
0x85: {  	_ =	shalt  }
0x86: {  	_ =	shalt  }
0x87: {  	_ =	shalt  }
.Lfunc_end0:
.L_simem_size_0:
called_computation.1_lowered:
.L_overlay_start_0:
0x88: {  	s2 =	sld [smem:$0x3FD9]  }
0x89: {  	s3 =	sld [smem:$0x3FFE];
	_ =	sdelay $0x1  }
0x8a: {  	s1 =	srdreg.scid  }
0x8b: {  	s0 =	sand.u32 $0x1, s1  }
0x8c: {  	s16 =	sshll.u32 s0, $0xA;
	s2 =	sadd.s32 s3, s2  }
0x8d: {  	s2 =	sadd.s32 s2, s16  }
0x8e: {  	[smem:$0x3FBD] =	sst s2  }
0x8f: {  	_ = 	snop  }
0x90: {  	(tm) =	ssettm $0x1  }
0x91: {  	s17 =	sld [smem:$0x3FFB];
	_ =	sdelay $0x3  }
0x92: {  	_ =	strace s17  }
0x93: {  	s2 =	sld [smem:$0x3FFC];
	_ =	sdelay $0x3  }
0x94: {  	_ =	strace s2  }
0x95: {  	s2 =	sld [smem:$0x3FFD];
	_ =	sdelay $0x3  }
0x96: {  	_ =	strace s2  }
0x97: {  	_ =	strace $0x8FFFFFFF  }
0x98: {  	s18 =	sld [smem:$0x3FDB];
	_ =	sdelay $0x1  }
0x99: {  	s19 =	simm.s32 $_scs_section_size  }
0x9a: {  	s4 =	simm.s32 $_size__tile_overlayer_lowered;
	s5 =	simm.s32 $_tile_overlayer_lowered  }
0x9b: {  	s22 =	simm.s32 $0x1BFF;
	s21 =	sshll.u32 s5, $0x1;
	s2 =	sadd.s32 s19, s18  }
0x9c: {  	s6 =	simm.s32 $0x0;
	s20 =	sshll.u32 s4, $0x1;
	s4 =	sadd.s32 s21, s2  }
0x9d: {  	[timem:s6], [sflag:s22] =	dma.local [hbm:s4], s20  }
0x9e: {  	_ =	swait.ge [sflag:s22], s20  }
0x9f: {  	s3 =	ssub.s32 $0x0, s20;
	[sflag:s22] =	ssyncset.done $0x0  }
0xa0: {  	[sflag:s22] =	ssyncadd.s32 s3;
	_ =	sdelay $0x1  }
0xa1: {  	s23 =	simm.s32 $0x1B8B  }
0xa2: {  	_ =	swait.ge [sflag:s23], $0x1  }
0xa3: {  	[sflag:s23] =	ssyncset.done $0x0  }
0xa4: {  	s25 =	simm.s32 $0x1B8E;
	s24 =	sld [smem:$0x3FFE];
	[sflag:s23] =	ssyncadd.s32 $0xFFFFFFFF  }
0xa5: {  	s26 =	simm.s32 $execute0_lowered;
	[smem:$0x3FD2] =	sst s25  }
0xa6: {  	s4 =	sshll.u32 s26, $0x1;
	_ =	strace $0x80000049;
	[dreg:$0x1] =	wrdreg $0xFFFFFFFF  }
0xa7: {  	s28 =	simm.s32 $_size_execute0_lowered;
	s2 =	sadd.s32 s2, s4;
	[dreg:$0x0] =	wrdreg $0x0  }
0xa8: {  	s4 =	sshll.u32 s28, $0x1;
	[dreg:$0x2] =	wrdreg s2  }
0xa9: {  	[dreg:$0x3] =	wrdreg s4  }
0xaa: {  	[dreg:$0x4] =	wrdreg $0xC0  }
0xab: {  	_ =	task [dreg:s6], $0x5FFFF  }
0xac: {  	[dreg:$0x1] =	wrdreg $0xFFFFFFFF  }
0xad: {  	[dreg:$0x0] =	wrdreg $0x60  }
0xae: {  	[dreg:$0x2] =	wrdreg s24  }
0xaf: {  	[dreg:$0x3] =	wrdreg $0x9  }
0xb0: {  	_ =	task.clear_ibuf [dreg:s6], $0x4FFFF;
	_ =	strace $0x90000049  }
0xb1: {  	s29 =	simm.s32 $0x9;
	_ =	strace $0x8000004B  }
0xb2: {  	_ =	swait.ge [sflag:s29], $0x1  }
0xb3: {  	[sflag:s29] =	ssyncadd.s32 $0xFFFFFFFF  }
0xb4: {  	_ =	strace $0x9000004B  }
0xb5: {  	_ =	sfence  }
0xb6: {  	s30 =	sld [smem:$0x0];
	_ =	sdelay $0x2  }
0xb7: {  	s31 =	sshll.u32 s1, $0xD;
	s1 =	sshrl.u32 s1, $0x2  }
0xb8: {  	s3 =	sand.u32 $0x4000, s31;
	s1 =	sadd.s32 s1, s30  }
0xb9: {  	s0 =	sor.u32 s3, s0;
	s1 =	sshll.u32 s1, $0x11  }
0xba: {  	s0 =	sor.u32 s1, s0  }
0xbb: {  	s0 =	sadd.s32 $0x8F2B, s0  }
0xbc: {  	[sflag:s0] =	ssyncadd.remote.s32 $0x1  }
0xbd: {  	_ =	sfence.sel $0xFFFF  }
0xbe: {  	[dreg:$0x0] =	wrdreg $0xFFFFFFFF;
	(pc) =	sbr.abs _section_cstart, $3  }
0xbf: {  	[dreg:$0x1] =	wrdreg $0xFFFFFFFF  }
0xc0: {  	_ =	task.clear_ibuf [dreg:s6], $0x2FFFF;
	_ =	strace $0x9FFFFFFF  }
0xc1: {  	(tm) =	ssettm $0x7FFFFFFF  }
tec
execute0_lowered:
.L_overlay_start_1:
0x0: {  	(tag) =	ssettag $0x1  }
0x1: {  	s0 =	rddreg [dreg:$0x0];
	s2 =	simm.s32 $0x0;
	s3 =	srdreg.scid  }
0x2: {  	s1 =	stileid.u32;
	s10 =	simm.s32 $0x80;
	s11 =	simm.s32 $0x100  }
0x3: {  	s12 =	simm.s32 $0x900;
	s13 =	simm.s32 $0x1100;
	s14 =	simm.s32 $0x1900  }
0x4: {  	s15 =	simm.s32 $0x2100;
	s16 =	simm.s32 $0x2900;
	s17 =	simm.s32 $0x3100  }
0x5: {  	s18 =	simm.s32 $0x3900;
	s19 =	simm.s32 $0x4100;
	s20 =	simm.s32 $0x4900  }
0x6: {  	s21 =	simm.s32 $0x5100;
	s22 =	simm.s32 $0x5900;
	s23 =	simm.s32 $0x6100  }
0x7: {  	s24 =	simm.s32 $0x6900;
	s28 =	simm.s32 $0x1;
	s5 =	smul.u32 $0x300, s1  }
0x8: {  	s29 =	simm.s32 $0x0;
	s4 =	sand.u32 $0x1, s3;
	s7 =	smul.u32 $0x6000, s1  }
0x9: {  	[smem:$0x7FF] =	sst s2;
	s3 =	sadd.s32 $0x133400, s0;
	s6 =	smul.u32 $0x180, s4  }
0xa: {  	_ =	strace $0x8000004A;
	s8 =	ssub.s32 $0x2, s4;
	s9 =	smul.u32 $0x3000, s4  }
0xb: {  	s25 =	sshrl.u32 s8, $0x1;
	s30 =	sadd.s32 s7, s0;
	s5 =	sadd.s32 s6, s5  }
0xc: {  	s6 =	ssub.s32 s8, s25;
	s31 =	sadd.s32 s9, s30;
	s9 =	simm.s32 $0x2  }
0xd: {  	v2 =	vlaneseq.u32;
	s25 =	simm.s32 $0x7100;
	s26 =	sshrl.u32 s5, $0x3;
	s4 =	smax.u32 s6, $0x1  }
0xe: {  	vm0 =	vmmov $0xffff;
	v1 =	vshrl.u32 v2, $0x3;
	s5 =	sadd.s32 $0x63400, s31;
	s6 =	sadd.s32 $0xC3400, s31;
	s0 =	sadd.s32 s26, s0  }
0xf: {  	v0 =	vand.u32 $0x7, v2;
	v2 =	vor.u32 $0x8, v2;
	v1 =	vmul.u32 $0x8, v1;
	s26 =	simm.s32 $0x7900;
	s7 =	sadd.s32 $0x62E00, s0;
	s8 =	sadd.s32 $0x62800, s0  }
.LBB2_1:
0x10: {  	s30 =	smov.u32 s6;
	s31 =	smov.u32 s5;
	s0 =	simm.s32 $0x0  }
.LBB2_2:
0x11: {  	s1 =	sadd.s32 s0, s8  }
0x12: {  	[tilespmem:s2], [sflag:$0x2] =	stream.linear.gather [hbm4b:s1+s2], $0x40, $0x38;
	[tilespmem:$0x8100] =	vst v63  }
0x13: {  	_ =	swait.ge [sflag:s9], $0x40  }
0x14: {  	[sflag:s9] =	ssyncset.done $0x0  }
0x15: {  	s1 =	sadd.s32 s0, s7;
	[sflag:s9] =	ssyncadd.s32 $0xFFFFFFC0  }
0x16: {  	[tilespmem:s10], [sflag:$0x2] =	stream.linear.gather [hbm4b:s1+s2], $0x40, $0x38;
	[tilespmem:$0x8100] =	vst v63  }
0x17: {  	_ =	swait.ge [sflag:s9], $0x40  }
0x18: {  	[sflag:s9] =	ssyncset.done $0x0  }
0x19: {  	[sflag:s9] =	ssyncadd.s32 $0xFFFFFFC0  }
0x1a: {  	v3 =	vld [tilespmem:$0x0];
	_ =	sdelay $0x4  }
0x1b: {  	v4 =	vshll.u32 v3, $0x1  }
0x1c: {  	v3 =	vand.u32 $0x7, v3;
	v4 =	vand.u32 $0xFFFFFFF0, v4  }
0x1d: {  	v3 =	vor.u32 v3, v4  }
0x1e: {  	v4 =	vperm.xlane v3, v0;
	_ =	sdelay $0x1  }
0x1f: {  	v3 =	vperm.xlane v3, v2;
	v4 =	vadd.s32 v1, v4;
	_ =	sdelay $0x1  }
0x20: {  	v3 =	vadd.s32 v1, v3;
	_ =	sdelay $0x2  }
0x21: {  	[tilespmem:s11], [sflag:$0x1] =	stream.indirect_vreg.gather [hbm4b:s3+s2], $0x80, v4, vm0, $0xb8;
	[tilespmem:$0x8100] =	vst v63  }
0x22: {  	_ = 	snop  }
0x23: {  	[tilespmem:s12], [sflag:$0x1] =	stream.indirect_vreg.gather [hbm4b:s3+s2], $0x80, v3, vm0, $0xb8;
	[tilespmem:$0x8100] =	vst v63  }
0x24: {  	v3 =	vld [tilespmem:$0x10];
	_ =	sdelay $0x4  }
0x25: {  	v57 =	vshll.u32 v3, $0x1  }
0x26: {  	v3 =	vand.u32 $0x7, v3;
	v4 =	vand.u32 $0xFFFFFFF0, v57  }
0x27: {  	v3 =	vor.u32 v3, v4  }
0x28: {  	v4 =	vperm.xlane v3, v0;
	_ =	sdelay $0x1  }
0x29: {  	v3 =	vperm.xlane v3, v2;
	v4 =	vadd.s32 v1, v4;
	_ =	sdelay $0x1  }
0x2a: {  	v3 =	vadd.s32 v1, v3;
	_ =	sdelay $0x2  }
0x2b: {  	[tilespmem:s13], [sflag:$0x1] =	stream.indirect_vreg.gather [hbm4b:s3+s2], $0x80, v4, vm0, $0xb8;
	[tilespmem:$0x8100] =	vst v63  }
0x2c: {  	_ = 	snop  }
0x2d: {  	[tilespmem:s14], [sflag:$0x1] =	stream.indirect_vreg.gather [hbm4b:s3+s2], $0x80, v3, vm0, $0xb8;
	[tilespmem:$0x8100] =	vst v63  }
0x2e: {  	v3 =	vld [tilespmem:$0x20];
	_ =	sdelay $0x4  }
0x2f: {  	v58 =	vshll.u32 v3, $0x1  }
0x30: {  	v3 =	vand.u32 $0x7, v3;
	v4 =	vand.u32 $0xFFFFFFF0, v58  }
0x31: {  	v3 =	vor.u32 v3, v4  }
0x32: {  	v4 =	vperm.xlane v3, v0;
	_ =	sdelay $0x1  }
0x33: {  	v3 =	vperm.xlane v3, v2;
	v4 =	vadd.s32 v1, v4;
	_ =	sdelay $0x1  }
0x34: {  	v3 =	vadd.s32 v1, v3;
	_ =	sdelay $0x2  }
0x35: {  	[tilespmem:s15], [sflag:$0x1] =	stream.indirect_vreg.gather [hbm4b:s3+s2], $0x80, v4, vm0, $0xb8;
	[tilespmem:$0x8100] =	vst v63  }
0x36: {  	_ = 	snop  }
0x37: {  	[tilespmem:s16], [sflag:$0x1] =	stream.indirect_vreg.gather [hbm4b:s3+s2], $0x80, v3, vm0, $0xb8;
	[tilespmem:$0x8100] =	vst v63  }
0x38: {  	v3 =	vld [tilespmem:$0x30];
	_ =	sdelay $0x4  }
0x39: {  	v59 =	vshll.u32 v3, $0x1  }
0x3a: {  	v3 =	vand.u32 $0x7, v3;
	v4 =	vand.u32 $0xFFFFFFF0, v59  }
0x3b: {  	v3 =	vor.u32 v3, v4  }
0x3c: {  	v4 =	vperm.xlane v3, v0;
	_ =	sdelay $0x1  }
0x3d: {  	v3 =	vperm.xlane v3, v2;
	v4 =	vadd.s32 v1, v4;
	_ =	sdelay $0x1  }
0x3e: {  	v3 =	vadd.s32 v1, v3;
	_ =	sdelay $0x2  }
0x3f: {  	[tilespmem:s17], [sflag:$0x1] =	stream.indirect_vreg.gather [hbm4b:s3+s2], $0x80, v4, vm0, $0xb8;
	[tilespmem:$0x8100] =	vst v63  }
0x40: {  	_ = 	snop  }
0x41: {  	[tilespmem:s18], [sflag:$0x1] =	stream.indirect_vreg.gather [hbm4b:s3+s2], $0x80, v3, vm0, $0xb8;
	[tilespmem:$0x8100] =	vst v63  }
0x42: {  	v3 =	vld [tilespmem:$0x80];
	_ =	sdelay $0x4  }
0x43: {  	v60 =	vshll.u32 v3, $0x1  }
0x44: {  	v3 =	vand.u32 $0x7, v3;
	v4 =	vand.u32 $0xFFFFFFF0, v60  }
0x45: {  	v3 =	vor.u32 v3, v4  }
0x46: {  	v4 =	vperm.xlane v3, v0;
	_ =	sdelay $0x1  }
0x47: {  	v3 =	vperm.xlane v3, v2;
	v4 =	vadd.s32 v1, v4;
	_ =	sdelay $0x1  }
0x48: {  	v3 =	vadd.s32 v1, v3;
	_ =	sdelay $0x2  }
0x49: {  	[tilespmem:s19], [sflag:$0x1] =	stream.indirect_vreg.gather [hbm4b:s3+s2], $0x80, v4, vm0, $0xb8;
	[tilespmem:$0x8100] =	vst v63  }
0x4a: {  	_ = 	snop  }
0x4b: {  	[tilespmem:s20], [sflag:$0x1] =	stream.indirect_vreg.gather [hbm4b:s3+s2], $0x80, v3, vm0, $0xb8;
	[tilespmem:$0x8100] =	vst v63  }
0x4c: {  	v3 =	vld [tilespmem:$0x90];
	_ =	sdelay $0x4  }
0x4d: {  	v61 =	vshll.u32 v3, $0x1  }
0x4e: {  	v3 =	vand.u32 $0x7, v3;
	v4 =	vand.u32 $0xFFFFFFF0, v61  }
0x4f: {  	v3 =	vor.u32 v3, v4  }
0x50: {  	v4 =	vperm.xlane v3, v0;
	_ =	sdelay $0x1  }
0x51: {  	v3 =	vperm.xlane v3, v2;
	v4 =	vadd.s32 v1, v4;
	_ =	sdelay $0x1  }
0x52: {  	v3 =	vadd.s32 v1, v3;
	_ =	sdelay $0x2  }
0x53: {  	[tilespmem:s21], [sflag:$0x1] =	stream.indirect_vreg.gather [hbm4b:s3+s2], $0x80, v4, vm0, $0xb8;
	[tilespmem:$0x8100] =	vst v63  }
0x54: {  	_ = 	snop  }
0x55: {  	[tilespmem:s22], [sflag:$0x1] =	stream.indirect_vreg.gather [hbm4b:s3+s2], $0x80, v3, vm0, $0xb8;
	[tilespmem:$0x8100] =	vst v63  }
0x56: {  	v3 =	vld [tilespmem:$0xA0];
	_ =	sdelay $0x4  }
0x57: {  	v62 =	vshll.u32 v3, $0x1  }
0x58: {  	v3 =	vand.u32 $0x7, v3;
	v4 =	vand.u32 $0xFFFFFFF0, v62  }
0x59: {  	v3 =	vor.u32 v3, v4  }
0x5a: {  	v4 =	vperm.xlane v3, v0;
	_ =	sdelay $0x1  }
0x5b: {  	v3 =	vperm.xlane v3, v2;
	v4 =	vadd.s32 v1, v4;
	_ =	sdelay $0x1  }
0x5c: {  	v3 =	vadd.s32 v1, v3;
	_ =	sdelay $0x2  }
0x5d: {  	[tilespmem:s23], [sflag:$0x1] =	stream.indirect_vreg.gather [hbm4b:s3+s2], $0x80, v4, vm0, $0xb8;
	[tilespmem:$0x8100] =	vst v63  }
0x5e: {  	_ = 	snop  }
0x5f: {  	[tilespmem:s24], [sflag:$0x1] =	stream.indirect_vreg.gather [hbm4b:s3+s2], $0x80, v3, vm0, $0xb8;
	[tilespmem:$0x8100] =	vst v63  }
0x60: {  	v3 =	vld [tilespmem:$0xB0];
	_ =	sdelay $0x4  }
0x61: {  	v63 =	vshll.u32 v3, $0x1  }
0x62: {  	v3 =	vand.u32 $0x7, v3;
	v4 =	vand.u32 $0xFFFFFFF0, v63  }
0x63: {  	v3 =	vor.u32 v3, v4  }
0x64: {  	v4 =	vperm.xlane v3, v0;
	_ =	sdelay $0x1  }
0x65: {  	v3 =	vperm.xlane v3, v2;
	v4 =	vadd.s32 v1, v4;
	_ =	sdelay $0x1  }
0x66: {  	v3 =	vadd.s32 v1, v3;
	_ =	sdelay $0x2  }
0x67: {  	[tilespmem:s25], [sflag:$0x1] =	stream.indirect_vreg.gather [hbm4b:s3+s2], $0x80, v4, vm0, $0xb8;
	[tilespmem:$0x8100] =	vst v63  }
0x68: {  	_ = 	snop  }
0x69: {  	[tilespmem:s26], [sflag:$0x1] =	stream.indirect_vreg.gather [hbm4b:s3+s2], $0x80, v3, vm0, $0xb8;
	[tilespmem:$0x8100] =	vst v63  }
0x6a: {  	_ =	swait.ge [sflag:s28], $0x4000  }
0x6b: {  	[sflag:s28] =	ssyncset.done $0x0  }
0x6c: {  	[sflag:s28] =	ssyncadd.s32 $0xFFFFC000  }
0x6d: {  	_ =	swait.ge [sflag:s28], $0x4000  }
0x6e: {  	[sflag:s28] =	ssyncset.done $0x0  }
0x6f: {  	[sflag:s28] =	ssyncadd.s32 $0xFFFFC000  }
0x70: {  	[hbm4b:s31+s2] =	stream.linear.scatter [tilespmem:s11], [sflag:$0x2], $0x4000, $0x38;
	[tilespmem:$0x8100] =	vst v63  }
0x71: {  	_ =	swait.ge [sflag:s9], $0x4000  }
0x72: {  	p0 =	sne.s32 s0, $0x28;
	[sflag:s9] =	ssyncset.done $0x0  }
.Ltmp0:
0x73: {  	[sflag:s9] =	ssyncadd.s32 $0xFFFFC000;
	(pc) =	sbr.rel @p0 .LBB2_2-.Ltmp0, $4  }
0x74: {  	[hbm4b:s30+s2] =	stream.linear.scatter [tilespmem:s19], [sflag:$0x2], $0x4000, $0x38;
	[tilespmem:$0x8100] =	vst v63  }
0x75: {  	_ =	swait.ge [sflag:s9], $0x4000  }
0x76: {  	s0 =	sadd.s32 $0x8, s0;
	[sflag:s9] =	ssyncset.done $0x0  }
0x77: {  	s31 =	sadd.s32 $0x800, s31;
	s30 =	sadd.s32 $0x800, s30;
	[sflag:s9] =	ssyncadd.s32 $0xFFFFC000  }
0x78: {  	s29 =	sadd.s32 $0x1, s29  }
0x79: {  	p0 =	sne.s32 s29, s4  }
.Ltmp1:
0x7a: {  	_ = 	snop;
	(pc) =	sbr.rel @p0 .LBB2_1-.Ltmp1, $1  }
0x7b: {  	_ =	sdelay $0x3  }
0x7c: {  	_ =	sfence.sel $0x180000  }
0x7d: {  	[bflag:$0x0] =	sbarrier.arrive $0xFFFF  }
0x7e: {  	_ =	strace $0x9000004A  }
0x7f: {  	s0 =	stileid.u32;
	[bflag:$0x2] =	sbarrier.arrive $0xFFFF  }
0x80: {  	p0 =	sne.s32 s0, $0x0;
	s0 =	rddreg [dreg:$0x1]  }
0x81: {  	s0 =	sadd.s32 @!p0 $0x100000, s0  }
0x82: {  	[sflag:s0] =	ssyncadd.tile.s32 @!p0 $0x1;
	_ =	shalt  }
.Lfunc_end2:
_tile_overlayer_lowered:
.L_overlay_start_2:
0x83: {  	(tag) =	ssettag $0x2  }
0x84: {  	s0 =	rddreg [dreg:$0x0];
	s2 =	stileid.u32  }
0x85: {  	s1 =	rddreg [dreg:$0x1];
	p0 =	sne.s32 s2, $0x0  }
0x86: {  	s3 =	rddreg [dreg:$0x2];
	[bflag:$0x3] =	sbarrier.arrive $0xFFFF;
	s2 =	simm.s32 @!p0 $0x1C02  }
0x87: {  	[timem:s3], [sflag:s2] =	dma.local @!p0 [hbm:s0], s1  }
0x88: {  	s0 =	simm.s32 @!p0 $0x2  }
0x89: {  	_ =	swait.ge @!p0 [sflag:s0], s1  }
0x8a: {  	s1 =	ssub.s32 @!p0 $0x0, s1;
	[sflag:s0] =	ssyncset.done @!p0 $0x0  }
0x8b: {  	[sflag:s0] =	ssyncadd.s32 @!p0 s1  }
0x8c: {  	[bflag:$0x3] =	sbarrier.arrive $0xFFFF  }
0x8d: {  	_ =	shalt  }

// kernel: kernel.9.cloned.1.call-start
scs
__scs_entry_jumppad:
0x0: {  	(pc) =	sbr.rel $0x88, $3  }
0x1: {  	(tag) =	ssettag $0x0;
	lr =	simm.s32 $0x1  }
0x2: {  	[smem:$0x3F96] =	sst lr;
	_ =	strace $0xD0000000  }
0x3: {  	_ = 	snop  }
0x4: {  	_ = 	snop  }
0x5: {  	_ = 	snop  }
0x6: {  	_ = 	snop  }
0x7: {  	_ = 	snop  }
__scs_overlays_trampoline_lowered:
0x8: {  	[smem:$0x3FA5] =	sst s0  }
0x9: {  	[smem:$0x3FA6] =	sst s1  }
0xa: {  	[smem:$0x3FA7] =	sst s2  }
0xb: {  	[smem:$0x3FA8] =	sst s3  }
0xc: {  	[smem:$0x3FA9] =	sst s4  }
0xd: {  	[smem:$0x3FAA] =	sst s5  }
0xe: {  	[smem:$0x3FAB] =	sst s6  }
0xf: {  	[smem:$0x3FAC] =	sst s7  }
0x10: {  	[smem:$0x3FAD] =	sst s8  }
0x11: {  	[smem:$0x3FAE] =	sst s9;
	s0 =	simm.s32 @!p0 $0x0  }
0x12: {  	s1 =	sld [smem:$0x3F94];
	s0 =	simm.s32 @p0 $0x1  }
0x13: {  	[smem:$0x3FAF] =	sst s0;
	s0 =	simm.s32 @!p1 $0x0  }
0x14: {  	s2 =	sld [smem:$0x3F93];
	s0 =	simm.s32 @p1 $0x1  }
0x15: {  	[smem:$0x3FB0] =	sst s0;
	s0 =	simm.s32 @!p2 $0x0  }
0x16: {  	s3 =	sld [smem:$0x3FDB];
	s0 =	simm.s32 @p2 $0x1  }
0x17: {  	s4 =	simm.s32 $0x1BF5;
	[smem:$0x3FB2] =	sst s0  }
0x18: {  	s0 =	sld [smem:$0x3F95];
	_ =	swait.ge [sflag:s4], $0x0  }
0x19: {  	s7 =	sld [smem:$0x3F96]  }
0x1a: {  	s8 =	sadd.s32 $0xFFFFE003, lr  }
0x1b: {  	s9 =	sadd.s32 $0xFFFFFEF7, lr;
	s5 =	simm.s32 $0xFFFFFFFF;
	p2 =	slt.u32 s8, $0xFFFFF086  }
0x1c: {  	p1 =	slt.u32 s9, $0xF7A;
	s5 =	simm.s32 @!p2 $0x0  }
0x1d: {  	s5 =	simm.s32 @p1 $0x1;
	p0 =	seq.s32 s7, s2  }
0x1e: {  	s7 =	smul.u32 @!p0 $0xF7A, s2;
	p2 =	seq.s32 @!p0 s5, $0x0  }
0x1f: {  	s9 =	smul.u32 $0xF7A, s1;
	s8 =	simm.s32 @!p0 $0x1BF5;
	p2 =	por !p2, p0  }
0x20: {  	[sflag:s8] =	ssyncset.s32 @!p0 $0xFFFFF086;
	s6 =	sadd.s32 @!p0 s3, s7;
	s7 =	simm.s32 @!p0 $0x108  }
0x21: {  	s3 =	sadd.s32 s3, s9;
	s6 =	sadd.s32 @!p0 $0x88, s6;
	s7 =	simm.s32 @p2 $0x1082  }
0x22: {  	[simem:s7], [sflag:s8] =	dma.local @!p0 [hbm:s6], $0xF7A  }
0x23: {  	s9 =	sor.u32 $0xD0000000, s2;
	s6 =	simm.s32 $0x108;
	_ =	swait.ge @!p0 [sflag:s8], $0x0  }
0x24: {  	s3 =	sadd.s32 $0x88, s3;
	s6 =	simm.s32 @!p1 $0x1082;
	[sflag:s4] =	ssyncset.s32 $0xFFFFF086  }
0x25: {  	[simem:s6], [sflag:s4] =	dma.local [hbm:s3], $0xF7A  }
0x26: {  	[smem:$0x3F96] =	sst s1;
	(tag) =	ssettag s2;
	_ =	strace s9  }
0x27: {  	s1 =	sld [smem:$0x3FA6]  }
0x28: {  	s2 =	sld [smem:$0x3FA7]  }
0x29: {  	s4 =	sld [smem:$0x3FA9]  }
0x2a: {  	p0 =	seq.s32 s5, $0x0;
	s5 =	sld [smem:$0x3FAA]  }
0x2b: {  	s6 =	sld [smem:$0x3FAB]  }
0x2c: {  	s7 =	sld [smem:$0x3FAC]  }
0x2d: {  	s3 =	simm.s32 $0x108;
	s8 =	sld [smem:$0x3FAD]  }
0x2e: {  	s3 =	simm.s32 @!p0 $0x1082;
	s9 =	sld [smem:$0x3FAE]  }
0x2f: {  	lr =	sadd.s32 s0, s3;
	s0 =	sld [smem:$0x3FA5]  }
0x30: {  	s3 =	sld [smem:$0x3FA8]  }
0x31: {  	[smem:$0x3FB1] =	sst s10  }
0x32: {  	s10 =	sld [smem:$0x3FAF];
	_ =	sdelay $0x3  }
0x33: {  	p0 =	seq.s32 s10, $0x1;
	s10 =	sld [smem:$0x3FB1];
	_ =	sdelay $0x3  }
0x34: {  	[smem:$0x3FB1] =	sst s10  }
0x35: {  	s10 =	sld [smem:$0x3FB0];
	_ =	sdelay $0x3  }
0x36: {  	p1 =	seq.s32 s10, $0x1;
	s10 =	sld [smem:$0x3FB1];
	_ =	sdelay $0x3  }
0x37: {  	[smem:$0x3FB1] =	sst s10  }
0x38: {  	s10 =	sld [smem:$0x3FB2]  }
0x39: {  	_ = 	snop;
	(pc) =	sbr.ind lr, $3  }
0x3a: {  	_ = 	snop  }
0x3b: {  	_ = 	snop  }
0x3c: {  	p2 =	seq.s32 s10, $0x1;
	s10 =	sld [smem:$0x3FB1]  }
0x3d: {  	_ =	shalt  }
0x3e: {  	_ =	shalt  }
0x3f: {  	_ =	shalt  }
0x40: {  	_ =	shalt  }
0x41: {  	_ =	shalt  }
0x42: {  	_ =	shalt  }
0x43: {  	_ =	shalt  }
0x44: {  	_ =	shalt  }
0x45: {  	_ =	shalt  }
0x46: {  	_ =	shalt  }
0x47: {  	_ =	shalt  }
0x48: {  	_ =	shalt  }
0x49: {  	_ =	shalt  }
0x4a: {  	_ =	shalt  }
0x4b: {  	_ =	shalt  }
0x4c: {  	_ =	shalt  }
0x4d: {  	_ =	shalt  }
0x4e: {  	_ =	shalt  }
0x4f: {  	_ =	shalt  }
0x50: {  	_ =	shalt  }
0x51: {  	_ =	shalt  }
0x52: {  	_ =	shalt  }
0x53: {  	_ =	shalt  }
0x54: {  	_ =	shalt  }
0x55: {  	_ =	shalt  }
0x56: {  	_ =	shalt  }
0x57: {  	_ =	shalt  }
0x58: {  	_ =	shalt  }
0x59: {  	_ =	shalt  }
0x5a: {  	_ =	shalt  }
0x5b: {  	_ =	shalt  }
0x5c: {  	_ =	shalt  }
0x5d: {  	_ =	shalt  }
0x5e: {  	_ =	shalt  }
0x5f: {  	_ =	shalt  }
0x60: {  	_ =	shalt  }
0x61: {  	_ =	shalt  }
0x62: {  	_ =	shalt  }
0x63: {  	_ =	shalt  }
0x64: {  	_ =	shalt  }
0x65: {  	_ =	shalt  }
0x66: {  	_ =	shalt  }
0x67: {  	_ =	shalt  }
0x68: {  	_ =	shalt  }
0x69: {  	_ =	shalt  }
0x6a: {  	_ =	shalt  }
0x6b: {  	_ =	shalt  }
0x6c: {  	_ =	shalt  }
0x6d: {  	_ =	shalt  }
0x6e: {  	_ =	shalt  }
0x6f: {  	_ =	shalt  }
0x70: {  	_ =	shalt  }
0x71: {  	_ =	shalt  }
0x72: {  	_ =	shalt  }
0x73: {  	_ =	shalt  }
0x74: {  	_ =	shalt  }
0x75: {  	_ =	shalt  }
0x76: {  	_ =	shalt  }
0x77: {  	_ =	shalt  }
0x78: {  	_ =	shalt  }
0x79: {  	_ =	shalt  }
0x7a: {  	_ =	shalt  }
0x7b: {  	_ =	shalt  }
0x7c: {  	_ =	shalt  }
0x7d: {  	_ =	shalt  }
0x7e: {  	_ =	shalt  }
0x7f: {  	_ =	shalt  }
0x80: {  	_ =	shalt  }
0x81: {  	_ =	shalt  }
0x82: {  	_ =	shalt  }
0x83: {  	_ =	shalt  }
0x84: {  	_ =	shalt  }
0x85: {  	_ =	shalt  }
0x86: {  	_ =	shalt  }
0x87: {  	_ =	shalt  }
.Lfunc_end0:
.L_simem_size_0:
called_computation_lowered:
.L_overlay_start_0:
0x88: {  	s2 =	sld [smem:$0x3FD9]  }
0x89: {  	s3 =	sld [smem:$0x3FFE];
	_ =	sdelay $0x1  }
0x8a: {  	s1 =	srdreg.scid  }
0x8b: {  	s0 =	sand.u32 $0x1, s1  }
0x8c: {  	s17 =	sshll.u32 s0, $0xA;
	s2 =	sadd.s32 s3, s2  }
0x8d: {  	s2 =	sadd.s32 s2, s17  }
0x8e: {  	[smem:$0x3FBD] =	sst s2  }
0x8f: {  	_ = 	snop  }
0x90: {  	s2 =	sld [smem:$0x3FD0];
	(tm) =	ssettm $0x1  }
0x91: {  	s18 =	sld [smem:$0x3FFB];
	_ =	sdelay $0x3  }
0x92: {  	_ =	strace s18  }
0x93: {  	s3 =	sld [smem:$0x3FFC];
	_ =	sdelay $0x3  }
0x94: {  	_ =	strace s3  }
0x95: {  	s3 =	sld [smem:$0x3FFD];
	_ =	sdelay $0x3  }
0x96: {  	_ =	strace s3  }
0x97: {  	_ =	strace $0x8FFFFFFF  }
0x98: {  	s19 =	sld [smem:$0x3FDB];
	_ =	sdelay $0x1  }
0x99: {  	s4 =	simm.s32 $_scs_section_size  }
0x9a: {  	s5 =	simm.s32 $_size__tile_overlayer_lowered;
	s6 =	simm.s32 $_tile_overlayer_lowered  }
0x9b: {  	s22 =	simm.s32 $0x1BFF;
	s21 =	sshll.u32 s6, $0x1;
	s3 =	sadd.s32 s4, s19  }
0x9c: {  	s7 =	simm.s32 $0x0;
	s20 =	sshll.u32 s5, $0x1;
	s5 =	sadd.s32 s21, s3  }
0x9d: {  	[timem:s7], [sflag:s22] =	dma.local [hbm:s5], s20  }
0x9e: {  	_ =	swait.ge [sflag:s22], s20  }
0x9f: {  	s4 =	ssub.s32 $0x0, s20;
	[sflag:s22] =	ssyncset.done $0x0  }
0xa0: {  	[sflag:s22] =	ssyncadd.s32 s4;
	_ =	sdelay $0x1  }
0xa1: {  	s23 =	simm.s32 $0x1B8B  }
0xa2: {  	_ =	swait.ge [sflag:s23], $0x1  }
0xa3: {  	[sflag:s23] =	ssyncset.done $0x0  }
0xa4: {  	s25 =	simm.s32 $0x1B8E;
	s24 =	sld [smem:$0x3FFE];
	[sflag:s23] =	ssyncadd.s32 $0xFFFFFFFF  }
0xa5: {  	s26 =	simm.s32 $execute0_lowered;
	[smem:$0x3FD2] =	sst s25  }
0xa6: {  	s5 =	sshll.u32 s26, $0x1;
	_ =	strace $0x80000046;
	[dreg:$0x1] =	wrdreg $0xFFFFFFFF  }
0xa7: {  	s28 =	simm.s32 $_size_execute0_lowered;
	s3 =	sadd.s32 s3, s5;
	[dreg:$0x0] =	wrdreg $0x0  }
0xa8: {  	s5 =	sshll.u32 s28, $0x1;
	[dreg:$0x2] =	wrdreg s3  }
0xa9: {  	[dreg:$0x3] =	wrdreg s5  }
0xaa: {  	[dreg:$0x4] =	wrdreg $0xC0  }
0xab: {  	_ =	task [dreg:s7], $0x5FFFF  }
0xac: {  	[dreg:$0x1] =	wrdreg $0xFFFFFFFF  }
0xad: {  	[dreg:$0x0] =	wrdreg $0x60  }
0xae: {  	[dreg:$0x2] =	wrdreg s2  }
0xaf: {  	[dreg:$0x3] =	wrdreg s24  }
0xb0: {  	[dreg:$0x4] =	wrdreg $0x9  }
0xb1: {  	_ =	task.clear_ibuf [dreg:s7], $0x5FFFF;
	_ =	strace $0x90000046  }
0xb2: {  	s29 =	simm.s32 $0x9;
	_ =	strace $0x80000048  }
0xb3: {  	_ =	swait.ge [sflag:s29], $0x1  }
0xb4: {  	[sflag:s29] =	ssyncadd.s32 $0xFFFFFFFF  }
0xb5: {  	_ =	strace $0x90000048  }
0xb6: {  	_ =	sfence  }
0xb7: {  	s30 =	sld [smem:$0x0];
	_ =	sdelay $0x2  }
0xb8: {  	s31 =	sshll.u32 s1, $0xD;
	s1 =	sshrl.u32 s1, $0x2  }
0xb9: {  	s3 =	sand.u32 $0x4000, s31;
	s1 =	sadd.s32 s1, s30  }
0xba: {  	s0 =	sor.u32 s3, s0;
	s1 =	sshll.u32 s1, $0x11  }
0xbb: {  	s0 =	sor.u32 s1, s0  }
0xbc: {  	s0 =	sadd.s32 $0x8F2B, s0  }
0xbd: {  	[sflag:s0] =	ssyncadd.remote.s32 $0x1  }
0xbe: {  	_ =	sfence.sel $0xFFFF  }
0xbf: {  	[dreg:$0x0] =	wrdreg $0xFFFFFFFF;
	(pc) =	sbr.abs _section_cstart, $3  }
0xc0: {  	[dreg:$0x1] =	wrdreg $0xFFFFFFFF  }
0xc1: {  	_ =	task.clear_ibuf [dreg:s7], $0x2FFFF;
	_ =	strace $0x9FFFFFFF  }
0xc2: {  	(tm) =	ssettm $0x7FFFFFFF  }
0xc3: {  	_ =	shalt  }
tec
execute0_lowered:
.L_overlay_start_1:
0x0: {  	(tag) =	ssettag $0x1  }
0x1: {  	s4 =	rddreg [dreg:$0x0]  }
0x2: {  	s1 =	srdreg.scid;
	s0 =	stileid.u32  }
0x3: {  	s3 =	rddreg [dreg:$0x1];
	s2 =	simm.s32 $0x0;
	s10 =	simm.s32 $0x80  }
0x4: {  	s11 =	simm.s32 $0x900;
	s12 =	simm.s32 $0x1100;
	s13 =	simm.s32 $0x1900  }
0x5: {  	s14 =	simm.s32 $0x2100;
	s15 =	simm.s32 $0x2900;
	s16 =	simm.s32 $0x3100  }
0x6: {  	s17 =	simm.s32 $0x3900;
	s18 =	simm.s32 $0x4100;
	s19 =	simm.s32 $0x4900  }
0x7: {  	s20 =	simm.s32 $0x5100;
	s21 =	simm.s32 $0x5900;
	s22 =	simm.s32 $0x6100  }
0x8: {  	s23 =	simm.s32 $0x6900;
	s24 =	simm.s32 $0x7100;
	s25 =	simm.s32 $0x7900  }
0x9: {  	s26 =	simm.s32 $0x1;
	s5 =	sand.u32 $0x1, s1;
	s6 =	smul.u32 $0x300, s0  }
0xa: {  	s28 =	simm.s32 $0x0;
	[smem:$0x7FF] =	sst s2;
	s7 =	smul.u32 $0x180, s5  }
0xb: {  	s1 =	rddreg [dreg:$0x2];
	s8 =	smul.u32 $0x6000, s0;
	_ =	strace $0x80000047  }
0xc: {  	s29 =	ssub.s32 $0x2, s5;
	s5 =	smul.u32 $0x3000, s5;
	s6 =	sadd.s32 s7, s6  }
0xd: {  	s30 =	sshrl.u32 s29, $0x1;
	s31 =	sadd.s32 s8, s4;
	s6 =	sshrl.u32 s6, $0x3  }
0xe: {  	v2 =	vlaneseq.u32;
	s8 =	simm.s32 $0x100;
	s9 =	sadd.s32 s6, s3;
	s6 =	ssub.s32 s29, s30  }
0xf: {  	vm0 =	vmmov $0xffff;
	v1 =	vshrl.u32 v2, $0x3;
	s5 =	sadd.s32 s5, s31;
	s3 =	sadd.s32 $0x63400, s3;
	s4 =	smax.u32 s6, $0x1  }
0x10: {  	v0 =	vand.u32 $0x7, v2;
	v2 =	vor.u32 $0x8, v2;
	v1 =	vmul.u32 $0x8, v1;
	s6 =	sadd.s32 $0x62E00, s9;
	s7 =	sadd.s32 $0x62800, s9;
	s9 =	simm.s32 $0x2  }
.LBB2_1:
0x11: {  	s29 =	smov.u32 s5;
	s30 =	simm.s32 $0x0  }
.LBB2_2:
0x12: {  	[tilespmem:s8], [sflag:$0x2] =	stream.linear.gather [hbm4b:s29+s2], $0x8000, $0x38;
	[tilespmem:$0x8100] =	vst v63  }
0x13: {  	_ =	swait.ge [sflag:s9], $0x8000  }
0x14: {  	[sflag:s9] =	ssyncset.done $0x0  }
0x15: {  	s31 =	sadd.s32 s30, s7;
	[sflag:s9] =	ssyncadd.s32 $0xFFFF8000  }
0x16: {  	[tilespmem:s2], [sflag:$0x2] =	stream.linear.gather [hbm4b:s31+s2], $0x80, $0x38;
	[tilespmem:$0x8100] =	vst v63  }
0x17: {  	_ =	swait.ge [sflag:s9], $0x80  }
0x18: {  	[sflag:s9] =	ssyncset.done $0x0  }
0x19: {  	s31 =	sadd.s32 s30, s6;
	[sflag:s9] =	ssyncadd.s32 $0xFFFFFF80  }
0x1a: {  	[tilespmem:s10], [sflag:$0x2] =	stream.linear.gather [hbm4b:s31+s2], $0x80, $0x38;
	[tilespmem:$0x8100] =	vst v63  }
0x1b: {  	_ =	swait.ge [sflag:s9], $0x80  }
0x1c: {  	[sflag:s9] =	ssyncset.done $0x0  }
0x1d: {  	[sflag:s9] =	ssyncadd.s32 $0xFFFFFF80  }
0x1e: {  	v3 =	vld [tilespmem:$0x0];
	_ =	sdelay $0x4  }
0x1f: {  	v4 =	vshll.u32 v3, $0x1  }
0x20: {  	v3 =	vand.u32 $0x7, v3;
	v4 =	vand.u32 $0xFFFFFFF0, v4  }
0x21: {  	v3 =	vor.u32 v3, v4  }
0x22: {  	v4 =	vperm.xlane v3, v0;
	_ =	sdelay $0x1  }
0x23: {  	v3 =	vperm.xlane v3, v2;
	v4 =	vadd.s32 v1, v4;
	_ =	sdelay $0x1  }
0x24: {  	v3 =	vadd.s32 v1, v3;
	_ =	sdelay $0x2  }
0x25: {  	[hbm4b:s3+s2] =	stream.indirect_vreg.scatter [tilespmem:s8], [sflag:$0x1], $0x80, v4, vm0, $0xb8;
	[tilespmem:$0x8100] =	vst v63  }
0x26: {  	_ = 	snop  }
0x27: {  	[hbm4b:s3+s2] =	stream.indirect_vreg.scatter [tilespmem:s11], [sflag:$0x1], $0x80, v3, vm0, $0xb8;
	[tilespmem:$0x8100] =	vst v63  }
0x28: {  	v3 =	vld [tilespmem:$0x10];
	_ =	sdelay $0x4  }
0x29: {  	v49 =	vshll.u32 v3, $0x1  }
0x2a: {  	v3 =	vand.u32 $0x7, v3;
	v4 =	vand.u32 $0xFFFFFFF0, v49  }
0x2b: {  	v3 =	vor.u32 v3, v4  }
0x2c: {  	v4 =	vperm.xlane v3, v0;
	_ =	sdelay $0x1  }
0x2d: {  	v3 =	vperm.xlane v3, v2;
	v4 =	vadd.s32 v1, v4;
	_ =	sdelay $0x1  }
0x2e: {  	v3 =	vadd.s32 v1, v3;
	_ =	sdelay $0x2  }
0x2f: {  	[hbm4b:s3+s2] =	stream.indirect_vreg.scatter [tilespmem:s12], [sflag:$0x1], $0x80, v4, vm0, $0xb8;
	[tilespmem:$0x8100] =	vst v63  }
0x30: {  	_ = 	snop  }
0x31: {  	[hbm4b:s3+s2] =	stream.indirect_vreg.scatter [tilespmem:s13], [sflag:$0x1], $0x80, v3, vm0, $0xb8;
	[tilespmem:$0x8100] =	vst v63  }
0x32: {  	v3 =	vld [tilespmem:$0x20];
	_ =	sdelay $0x4  }
0x33: {  	v50 =	vshll.u32 v3, $0x1  }
0x34: {  	v3 =	vand.u32 $0x7, v3;
	v4 =	vand.u32 $0xFFFFFFF0, v50  }
0x35: {  	v3 =	vor.u32 v3, v4  }
0x36: {  	v4 =	vperm.xlane v3, v0;
	_ =	sdelay $0x1  }
0x37: {  	v3 =	vperm.xlane v3, v2;
	v4 =	vadd.s32 v1, v4;
	_ =	sdelay $0x1  }
0x38: {  	v3 =	vadd.s32 v1, v3;
	_ =	sdelay $0x2  }
0x39: {  	[hbm4b:s3+s2] =	stream.indirect_vreg.scatter [tilespmem:s14], [sflag:$0x1], $0x80, v4, vm0, $0xb8;
	[tilespmem:$0x8100] =	vst v63  }
0x3a: {  	_ = 	snop  }
0x3b: {  	[hbm4b:s3+s2] =	stream.indirect_vreg.scatter [tilespmem:s15], [sflag:$0x1], $0x80, v3, vm0, $0xb8;
	[tilespmem:$0x8100] =	vst v63  }
0x3c: {  	v3 =	vld [tilespmem:$0x30];
	_ =	sdelay $0x4  }
0x3d: {  	v51 =	vshll.u32 v3, $0x1  }
0x3e: {  	v3 =	vand.u32 $0x7, v3;
	v4 =	vand.u32 $0xFFFFFFF0, v51  }
0x3f: {  	v3 =	vor.u32 v3, v4  }
0x40: {  	v4 =	vperm.xlane v3, v0;
	_ =	sdelay $0x1  }
0x41: {  	v3 =	vperm.xlane v3, v2;
	v4 =	vadd.s32 v1, v4;
	_ =	sdelay $0x1  }
0x42: {  	v3 =	vadd.s32 v1, v3;
	_ =	sdelay $0x2  }
0x43: {  	[hbm4b:s3+s2] =	stream.indirect_vreg.scatter [tilespmem:s16], [sflag:$0x1], $0x80, v4, vm0, $0xb8;
	[tilespmem:$0x8100] =	vst v63  }
0x44: {  	_ = 	snop  }
0x45: {  	[hbm4b:s3+s2] =	stream.indirect_vreg.scatter [tilespmem:s17], [sflag:$0x1], $0x80, v3, vm0, $0xb8;
	[tilespmem:$0x8100] =	vst v63  }
0x46: {  	v3 =	vld [tilespmem:$0x40];
	_ =	sdelay $0x4  }
0x47: {  	v52 =	vshll.u32 v3, $0x1  }
0x48: {  	v3 =	vand.u32 $0x7, v3;
	v4 =	vand.u32 $0xFFFFFFF0, v52  }
0x49: {  	v3 =	vor.u32 v3, v4  }
0x4a: {  	v4 =	vperm.xlane v3, v0;
	_ =	sdelay $0x1  }
0x4b: {  	v3 =	vperm.xlane v3, v2;
	v4 =	vadd.s32 v1, v4;
	_ =	sdelay $0x1  }
0x4c: {  	v3 =	vadd.s32 v1, v3;
	_ =	sdelay $0x2  }
0x4d: {  	[hbm4b:s3+s2] =	stream.indirect_vreg.scatter [tilespmem:s18], [sflag:$0x1], $0x80, v4, vm0, $0xb8;
	[tilespmem:$0x8100] =	vst v63  }
0x4e: {  	_ = 	snop  }
0x4f: {  	[hbm4b:s3+s2] =	stream.indirect_vreg.scatter [tilespmem:s19], [sflag:$0x1], $0x80, v3, vm0, $0xb8;
	[tilespmem:$0x8100] =	vst v63  }
0x50: {  	v3 =	vld [tilespmem:$0x50];
	_ =	sdelay $0x4  }
0x51: {  	v53 =	vshll.u32 v3, $0x1  }
0x52: {  	v3 =	vand.u32 $0x7, v3;
	v4 =	vand.u32 $0xFFFFFFF0, v53  }
0x53: {  	v3 =	vor.u32 v3, v4  }
0x54: {  	v4 =	vperm.xlane v3, v0;
	_ =	sdelay $0x1  }
0x55: {  	v3 =	vperm.xlane v3, v2;
	v4 =	vadd.s32 v1, v4;
	_ =	sdelay $0x1  }
0x56: {  	v3 =	vadd.s32 v1, v3;
	_ =	sdelay $0x2  }
0x57: {  	[hbm4b:s3+s2] =	stream.indirect_vreg.scatter [tilespmem:s20], [sflag:$0x1], $0x80, v4, vm0, $0xb8;
	[tilespmem:$0x8100] =	vst v63  }
0x58: {  	_ = 	snop  }
0x59: {  	[hbm4b:s3+s2] =	stream.indirect_vreg.scatter [tilespmem:s21], [sflag:$0x1], $0x80, v3, vm0, $0xb8;
	[tilespmem:$0x8100] =	vst v63  }
0x5a: {  	v3 =	vld [tilespmem:$0x60];
	_ =	sdelay $0x4  }
0x5b: {  	v54 =	vshll.u32 v3, $0x1  }
0x5c: {  	v3 =	vand.u32 $0x7, v3;
	v4 =	vand.u32 $0xFFFFFFF0, v54  }
0x5d: {  	v3 =	vor.u32 v3, v4  }
0x5e: {  	v4 =	vperm.xlane v3, v0;
	_ =	sdelay $0x1  }
0x5f: {  	v3 =	vperm.xlane v3, v2;
	v4 =	vadd.s32 v1, v4;
	_ =	sdelay $0x1  }
0x60: {  	v3 =	vadd.s32 v1, v3;
	_ =	sdelay $0x2  }
0x61: {  	[hbm4b:s3+s2] =	stream.indirect_vreg.scatter [tilespmem:s22], [sflag:$0x1], $0x80, v4, vm0, $0xb8;
	[tilespmem:$0x8100] =	vst v63  }
0x62: {  	_ = 	snop  }
0x63: {  	[hbm4b:s3+s2] =	stream.indirect_vreg.scatter [tilespmem:s23], [sflag:$0x1], $0x80, v3, vm0, $0xb8;
	[tilespmem:$0x8100] =	vst v63  }
0x64: {  	v3 =	vld [tilespmem:$0x70];
	_ =	sdelay $0x4  }
0x65: {  	v55 =	vshll.u32 v3, $0x1  }
0x66: {  	v3 =	vand.u32 $0x7, v3;
	v4 =	vand.u32 $0xFFFFFFF0, v55  }
0x67: {  	v3 =	vor.u32 v3, v4  }
0x68: {  	v4 =	vperm.xlane v3, v0;
	_ =	sdelay $0x1  }
0x69: {  	v3 =	vperm.xlane v3, v2;
	v4 =	vadd.s32 v1, v4;
	_ =	sdelay $0x1  }
0x6a: {  	v3 =	vadd.s32 v1, v3;
	_ =	sdelay $0x2  }
0x6b: {  	[hbm4b:s3+s2] =	stream.indirect_vreg.scatter [tilespmem:s24], [sflag:$0x1], $0x80, v4, vm0, $0xb8;
	[tilespmem:$0x8100] =	vst v63  }
0x6c: {  	_ = 	snop  }
0x6d: {  	[hbm4b:s3+s2] =	stream.indirect_vreg.scatter [tilespmem:s25], [sflag:$0x1], $0x80, v3, vm0, $0xb8;
	[tilespmem:$0x8100] =	vst v63  }
0x6e: {  	v3 =	vld [tilespmem:$0x80];
	_ =	sdelay $0x4  }
0x6f: {  	v56 =	vshll.u32 v3, $0x1  }
0x70: {  	v3 =	vand.u32 $0x7, v3;
	v4 =	vand.u32 $0xFFFFFFF0, v56  }
0x71: {  	v3 =	vor.u32 v3, v4  }
0x72: {  	v4 =	vperm.xlane v3, v0;
	_ =	sdelay $0x1  }
0x73: {  	v3 =	vperm.xlane v3, v2;
	v4 =	vadd.s32 v1, v4;
	_ =	sdelay $0x1  }
0x74: {  	v3 =	vadd.s32 v1, v3;
	_ =	sdelay $0x2  }
0x75: {  	[hbm4b:s3+s2] =	stream.indirect_vreg.scatter [tilespmem:s8], [sflag:$0x1], $0x80, v4, vm0, $0xb8;
	[tilespmem:$0x8100] =	vst v63  }
0x76: {  	_ = 	snop  }
0x77: {  	[hbm4b:s3+s2] =	stream.indirect_vreg.scatter [tilespmem:s11], [sflag:$0x1], $0x80, v3, vm0, $0xb8;
	[tilespmem:$0x8100] =	vst v63  }
0x78: {  	v3 =	vld [tilespmem:$0x90];
	_ =	sdelay $0x4  }
0x79: {  	v57 =	vshll.u32 v3, $0x1  }
0x7a: {  	v3 =	vand.u32 $0x7, v3;
	v4 =	vand.u32 $0xFFFFFFF0, v57  }
0x7b: {  	v3 =	vor.u32 v3, v4  }
0x7c: {  	v4 =	vperm.xlane v3, v0;
	_ =	sdelay $0x1  }
0x7d: {  	v3 =	vperm.xlane v3, v2;
	v4 =	vadd.s32 v1, v4;
	_ =	sdelay $0x1  }
0x7e: {  	v3 =	vadd.s32 v1, v3;
	_ =	sdelay $0x2  }
0x7f: {  	[hbm4b:s3+s2] =	stream.indirect_vreg.scatter [tilespmem:s12], [sflag:$0x1], $0x80, v4, vm0, $0xb8;
	[tilespmem:$0x8100] =	vst v63  }
0x80: {  	_ = 	snop  }
0x81: {  	[hbm4b:s3+s2] =	stream.indirect_vreg.scatter [tilespmem:s13], [sflag:$0x1], $0x80, v3, vm0, $0xb8;
	[tilespmem:$0x8100] =	vst v63  }
0x82: {  	v3 =	vld [tilespmem:$0xA0];
	_ =	sdelay $0x4  }
0x83: {  	v58 =	vshll.u32 v3, $0x1  }
0x84: {  	v3 =	vand.u32 $0x7, v3;
	v4 =	vand.u32 $0xFFFFFFF0, v58  }
0x85: {  	v3 =	vor.u32 v3, v4  }
0x86: {  	v4 =	vperm.xlane v3, v0;
	_ =	sdelay $0x1  }
0x87: {  	v3 =	vperm.xlane v3, v2;
	v4 =	vadd.s32 v1, v4;
	_ =	sdelay $0x1  }
0x88: {  	v3 =	vadd.s32 v1, v3;
	_ =	sdelay $0x2  }
0x89: {  	[hbm4b:s3+s2] =	stream.indirect_vreg.scatter [tilespmem:s14], [sflag:$0x1], $0x80, v4, vm0, $0xb8;
	[tilespmem:$0x8100] =	vst v63  }
0x8a: {  	_ = 	snop  }
0x8b: {  	[hbm4b:s3+s2] =	stream.indirect_vreg.scatter [tilespmem:s15], [sflag:$0x1], $0x80, v3, vm0, $0xb8;
	[tilespmem:$0x8100] =	vst v63  }
0x8c: {  	v3 =	vld [tilespmem:$0xB0];
	_ =	sdelay $0x4  }
0x8d: {  	v59 =	vshll.u32 v3, $0x1  }
0x8e: {  	v3 =	vand.u32 $0x7, v3;
	v4 =	vand.u32 $0xFFFFFFF0, v59  }
0x8f: {  	v3 =	vor.u32 v3, v4  }
0x90: {  	v4 =	vperm.xlane v3, v0;
	_ =	sdelay $0x1  }
0x91: {  	v3 =	vperm.xlane v3, v2;
	v4 =	vadd.s32 v1, v4;
	_ =	sdelay $0x1  }
0x92: {  	v3 =	vadd.s32 v1, v3;
	_ =	sdelay $0x2  }
0x93: {  	[hbm4b:s3+s2] =	stream.indirect_vreg.scatter [tilespmem:s16], [sflag:$0x1], $0x80, v4, vm0, $0xb8;
	[tilespmem:$0x8100] =	vst v63  }
0x94: {  	_ = 	snop  }
0x95: {  	[hbm4b:s3+s2] =	stream.indirect_vreg.scatter [tilespmem:s17], [sflag:$0x1], $0x80, v3, vm0, $0xb8;
	[tilespmem:$0x8100] =	vst v63  }
0x96: {  	v3 =	vld [tilespmem:$0xC0];
	_ =	sdelay $0x4  }
0x97: {  	v60 =	vshll.u32 v3, $0x1  }
0x98: {  	v3 =	vand.u32 $0x7, v3;
	v4 =	vand.u32 $0xFFFFFFF0, v60  }
0x99: {  	v3 =	vor.u32 v3, v4  }
0x9a: {  	v4 =	vperm.xlane v3, v0;
	_ =	sdelay $0x1  }
0x9b: {  	v3 =	vperm.xlane v3, v2;
	v4 =	vadd.s32 v1, v4;
	_ =	sdelay $0x1  }
0x9c: {  	v3 =	vadd.s32 v1, v3;
	_ =	sdelay $0x2  }
0x9d: {  	[hbm4b:s3+s2] =	stream.indirect_vreg.scatter [tilespmem:s18], [sflag:$0x1], $0x80, v4, vm0, $0xb8;
	[tilespmem:$0x8100] =	vst v63  }
0x9e: {  	_ = 	snop  }
0x9f: {  	[hbm4b:s3+s2] =	stream.indirect_vreg.scatter [tilespmem:s19], [sflag:$0x1], $0x80, v3, vm0, $0xb8;
	[tilespmem:$0x8100] =	vst v63  }
0xa0: {  	v3 =	vld [tilespmem:$0xD0];
	_ =	sdelay $0x4  }
0xa1: {  	v61 =	vshll.u32 v3, $0x1  }
0xa2: {  	v3 =	vand.u32 $0x7, v3;
	v4 =	vand.u32 $0xFFFFFFF0, v61  }
0xa3: {  	v3 =	vor.u32 v3, v4  }
0xa4: {  	v4 =	vperm.xlane v3, v0;
	_ =	sdelay $0x1  }
0xa5: {  	v3 =	vperm.xlane v3, v2;
	v4 =	vadd.s32 v1, v4;
	_ =	sdelay $0x1  }
0xa6: {  	v3 =	vadd.s32 v1, v3;
	_ =	sdelay $0x2  }
0xa7: {  	[hbm4b:s3+s2] =	stream.indirect_vreg.scatter [tilespmem:s20], [sflag:$0x1], $0x80, v4, vm0, $0xb8;
	[tilespmem:$0x8100] =	vst v63  }
0xa8: {  	_ = 	snop  }
0xa9: {  	[hbm4b:s3+s2] =	stream.indirect_vreg.scatter [tilespmem:s21], [sflag:$0x1], $0x80, v3, vm0, $0xb8;
	[tilespmem:$0x8100] =	vst v63  }
0xaa: {  	v3 =	vld [tilespmem:$0xE0];
	_ =	sdelay $0x4  }
0xab: {  	v62 =	vshll.u32 v3, $0x1  }
0xac: {  	v3 =	vand.u32 $0x7, v3;
	v4 =	vand.u32 $0xFFFFFFF0, v62  }
0xad: {  	v3 =	vor.u32 v3, v4  }
0xae: {  	v4 =	vperm.xlane v3, v0;
	_ =	sdelay $0x1  }
0xaf: {  	v3 =	vperm.xlane v3, v2;
	v4 =	vadd.s32 v1, v4;
	_ =	sdelay $0x1  }
0xb0: {  	v3 =	vadd.s32 v1, v3;
	_ =	sdelay $0x2  }
0xb1: {  	[hbm4b:s3+s2] =	stream.indirect_vreg.scatter [tilespmem:s22], [sflag:$0x1], $0x80, v4, vm0, $0xb8;
	[tilespmem:$0x8100] =	vst v63  }
0xb2: {  	_ = 	snop  }
0xb3: {  	[hbm4b:s3+s2] =	stream.indirect_vreg.scatter [tilespmem:s23], [sflag:$0x1], $0x80, v3, vm0, $0xb8;
	[tilespmem:$0x8100] =	vst v63  }
0xb4: {  	v3 =	vld [tilespmem:$0xF0];
	_ =	sdelay $0x4  }
0xb5: {  	v63 =	vshll.u32 v3, $0x1  }
0xb6: {  	v3 =	vand.u32 $0x7, v3;
	v4 =	vand.u32 $0xFFFFFFF0, v63  }
0xb7: {  	v3 =	vor.u32 v3, v4  }
0xb8: {  	v4 =	vperm.xlane v3, v0;
	_ =	sdelay $0x1  }
0xb9: {  	v3 =	vperm.xlane v3, v2;
	v4 =	vadd.s32 v1, v4;
	_ =	sdelay $0x1  }
0xba: {  	v3 =	vadd.s32 v1, v3;
	_ =	sdelay $0x2  }
0xbb: {  	[hbm4b:s3+s2] =	stream.indirect_vreg.scatter [tilespmem:s24], [sflag:$0x1], $0x80, v4, vm0, $0xb8;
	[tilespmem:$0x8100] =	vst v63  }
0xbc: {  	_ = 	snop  }
0xbd: {  	[hbm4b:s3+s2] =	stream.indirect_vreg.scatter [tilespmem:s25], [sflag:$0x1], $0x80, v3, vm0, $0xb8;
	[tilespmem:$0x8100] =	vst v63  }
0xbe: {  	p0 =	sne.s32 s30, $0x20;
	_ =	swait.ge [sflag:s26], $0x8000  }
.Ltmp0:
0xbf: {  	[sflag:s26] =	ssyncset.done $0x0;
	(pc) =	sbr.rel @p0 .LBB2_2-.Ltmp0, $4  }
0xc0: {  	[sflag:s26] =	ssyncadd.s32 $0xFFFF8000  }
0xc1: {  	_ =	swait.ge [sflag:s26], $0x8000  }
0xc2: {  	[sflag:s26] =	ssyncset.done $0x0  }
0xc3: {  	s29 =	sadd.s32 $0x1000, s29;
	s30 =	sadd.s32 $0x10, s30;
	[sflag:s26] =	ssyncadd.s32 $0xFFFF8000  }
0xc4: {  	s28 =	sadd.s32 $0x1, s28  }
0xc5: {  	p0 =	sne.s32 s28, s4  }
.Ltmp1:
0xc6: {  	_ = 	snop;
	(pc) =	sbr.rel @p0 .LBB2_1-.Ltmp1, $1  }
0xc7: {  	_ =	sdelay $0x3  }
0xc8: {  	_ =	sfence.sel $0x180000  }
0xc9: {  	[bflag:$0x0] =	sbarrier.arrive $0xFFFF  }
0xca: {  	p0 =	sne.s32 s0, $0x0;
	_ =	strace $0x90000047  }
0xcb: {  	s0 =	sadd.s32 @!p0 $0x100000, s1;
	[bflag:$0x2] =	sbarrier.arrive $0xFFFF  }
0xcc: {  	[sflag:s0] =	ssyncadd.tile.s32 @!p0 $0x1;
	_ =	shalt  }
.Lfunc_end2:
_tile_overlayer_lowered:
.L_overlay_start_2:
0xcd: {  	(tag) =	ssettag $0x2  }
0xce: {  	s0 =	rddreg [dreg:$0x0];
	s2 =	stileid.u32  }
0xcf: {  	s1 =	rddreg [dreg:$0x1];
	p0 =	sne.s32 s2, $0x0  }
0xd0: {  	s3 =	rddreg [dreg:$0x2];
	[bflag:$0x3] =	sbarrier.arrive $0xFFFF;
	s2 =	simm.s32 @!p0 $0x1C02  }
0xd1: {  	[timem:s3], [sflag:s2] =	dma.local @!p0 [hbm:s0], s1  }
0xd2: {  	s0 =	simm.s32 @!p0 $0x2  }
0xd3: {  	_ =	swait.ge @!p0 [sflag:s0], s1  }
0xd4: {  	s1 =	ssub.s32 @!p0 $0x0, s1;
	[sflag:s0] =	ssyncset.done @!p0 $0x0  }
0xd5: {  	[sflag:s0] =	ssyncadd.s32 @!p0 s1  }
0xd6: {  	[bflag:$0x3] =	sbarrier.arrive $0xFFFF  }
0xd7: {  	_ =	shalt  }

</sc_bundles>
